<compile_context>
chip_gen: v7x
topology: tpu7x:2x2x1
jax: 0.10.2.dev20260603
libtpu: 0.0.44.dev20260713+nightly
codegen_flags: <defaults>
</compile_context>

<pallas_src>
import functools

import jax
import jax.numpy as jnp
from jax import lax
from jax.experimental import pallas as pl
from jax.experimental.pallas import tpu as pltpu
from jax.experimental.pallas import tpu_sc as plsc

CHUNK_B = 4
NBUF = 2


@functools.partial(jax.jit, static_argnames=("n_chunks", "rows_per_w", "num_cores"))
def _sc_gather(table, idx, *, n_chunks, rows_per_w, num_cores):
    d = table.shape[1]
    nb, t = idx.shape
    mesh = plsc.VectorSubcoreMesh(core_axis_name="c", subcore_axis_name="s")

    splits = []
    off = 0
    while off < t:
        n = min(128, t - off)
        splits.append((off, n))
        off += n

    @functools.partial(
        pl.kernel,
        out_type=jax.ShapeDtypeStruct((nb, t, d), jnp.float32),
        mesh=mesh,
        scratch_types=[
            pltpu.VMEM((NBUF, CHUNK_B, t), jnp.int32),
            pltpu.VMEM((NBUF, CHUNK_B, t, d), jnp.float32),
            pltpu.VMEM_SHARED(table.shape, jnp.float32),
            pltpu.SemaphoreType.DMA((NBUF,)),
            pltpu.SemaphoreType.DMA((NBUF,)),
            pltpu.SemaphoreType.DMA((NBUF,)),
        ],
        compiler_params=pltpu.CompilerParams(use_tc_tiling_on_sc=False),
    )
    def k(table_hbm, idx_hbm, out_hbm, idx_v, rows_v, table_sh, sem_i, sem_g, sem_o):
        wid = lax.axis_index("s") * num_cores + lax.axis_index("c")
        base = wid * rows_per_w

        @pl.when(lax.axis_index("s") == 0)
        def _():
            pltpu.sync_copy(table_hbm, table_sh)

        plsc.subcore_barrier()

        def idx_copy(c, b):
            return pltpu.make_async_copy(
                idx_hbm.at[pl.ds(base + c * CHUNK_B, CHUNK_B), :],
                idx_v.at[b],
                sem_i.at[b],
            )

        def gather_copy(b, j, off, n):
            return pltpu.make_async_copy(
                table_sh.at[idx_v.at[b, j, pl.ds(off, n)]],
                rows_v.at[b, j, pl.ds(off, n), :],
                sem_g.at[b],
            )

        def out_copy(c, b):
            return pltpu.make_async_copy(
                rows_v.at[b],
                out_hbm.at[pl.ds(base + c * CHUNK_B, CHUNK_B), :, :],
                sem_o.at[b],
            )

        idx_copy(0, 0).start()

        def step(i, _):
            c2 = 2 * i
            for b in range(NBUF):
                c = c2 + b

                @pl.when(c + 1 < n_chunks)
                def _():
                    idx_copy(c + 1, b ^ 1).start()

                idx_copy(c, b).wait()

                @pl.when(c2 >= 2)
                def _():
                    out_copy(c - NBUF, b).wait()

                for j in range(CHUNK_B):
                    for off, n in splits:
                        gather_copy(b, j, off, n).start()
                for j in range(CHUNK_B):
                    for off, n in splits:
                        gather_copy(b, j, off, n).wait()

                out_copy(c, b).start()
            return _

        lax.fori_loop(0, n_chunks // NBUF, step, None)

        for b in range(NBUF):
            out_copy(n_chunks - NBUF + b, b).wait()

    return k(table, idx)


def kernel(time, time_encoding):
    nb, t = time.shape

    info = plsc.get_sparse_core_info()
    num_workers = info.num_cores * info.num_subcores
    rows_per_w = nb // num_workers
    assert rows_per_w * num_workers == nb and rows_per_w % CHUNK_B == 0

    return _sc_gather(
        jnp.asarray(time_encoding, jnp.float32),
        jnp.asarray(time, jnp.int32),
        n_chunks=rows_per_w // CHUNK_B,
        rows_per_w=rows_per_w,
        num_cores=info.num_cores,
    )

# --- scband reference (transcript-rebuilt; emitter-appended) ---
"""Pipeline reference for scband-temporal-encoding-52707838656924 (READ-ONLY COPY).

The authoritative reference and input builder live on the scoring server;
editing this copy changes nothing except your own understanding.
"""

import jax, jax.numpy as jnp
import numpy as np

D_MODEL = 64
MAX_TIME = 5000


def _build_time_encoding():
    # Vectorized, numerically identical to the torch double loop:
    # for even i: sin(t / max_time**(2*i/d_model)); at i+1: cos(same angle)
    t = jnp.arange(MAX_TIME, dtype=jnp.float32)[:, None]           # [T, 1]
    i = jnp.arange(0, D_MODEL, 2, dtype=jnp.float32)[None, :]      # [1, D/2]
    div = jnp.power(jnp.float32(MAX_TIME), 2.0 * i / D_MODEL)      # [1, D/2]
    ang = t / div                                                  # [T, D/2]
    te = jnp.zeros((MAX_TIME, D_MODEL), dtype=jnp.float32)
    te = te.at[:, 0::2].set(jnp.sin(ang))
    te = te.at[:, 1::2].set(jnp.cos(ang))
    return te


def setup_inputs(seed: int = 0) -> dict:
    key = jax.random.key(seed)
    k1, _ = jax.random.split(key)
    time = jax.random.randint(k1, (16384, 200), 0, MAX_TIME, dtype=jnp.int64)
    time_encoding = _build_time_encoding()
    return {"time": time, "time_encoding": time_encoding}


def reference(time, time_encoding):
    # forward: self.time_encoding[time, :]  -> gather rows
    return jnp.take(time_encoding, time, axis=0)

if __name__ == "__main__":
    import jax
    _d = setup_inputs()
    print(jax.jit(kernel)(*tuple(_d.values())))

</pallas_src>

<mosaic_0001>
#map = affine_map<(d0, d1) -> (0, 0)>
#map1 = affine_map<(d0, d1) -> (0, 0, 0)>
module attributes {stable_mosaic.version = 14 : i64} {
  func.func @k(%arg0: i32, %arg1: i32, %arg2: memref<5000x64xf32, #tpu.memory_space<hbm>>, %arg3: memref<16384x200xi32, #tpu.memory_space<hbm>>, %arg4: memref<16384x200x64xf32, #tpu.memory_space<hbm>>, %arg5: memref<2x4x200xi32, #tpu.memory_space<vmem>>, %arg6: memref<2x4x200x64xf32, #tpu.memory_space<vmem>>, %arg7: memref<5000x64xf32, #tpu.memory_space<vmem_shared>>, %arg8: memref<2x!tpu.dma_semaphore, #tpu.memory_space<semaphore_mem>>, %arg9: memref<2x!tpu.dma_semaphore, #tpu.memory_space<semaphore_mem>>, %arg10: memref<2x!tpu.dma_semaphore, #tpu.memory_space<semaphore_mem>>) attributes {dimension_semantics = [#tpu.dimension_semantics<core_parallel>, #tpu.dimension_semantics<subcore_parallel>], iteration_bounds = array<i64: 2, 16>, scalar_prefetch = 0 : i64, scratch_operands = 6 : i64, tpu.core_type = #tpu.core_type<sc_vector_subcore>, window_params = [{transform_indices = #map}, {transform_indices = #map}, {transform_indices = #map1}]} {
    %mul3A = arith.constant 2 : i32
    %mul3A_0 = arith.muli %arg1, %mul3A : i32
    %add3A = arith.addi %mul3A_0, %arg0 : i32
    %mul3A_1 = arith.constant 512 : i32
    %mul3A_2 = arith.muli %add3A, %mul3A_1 : i32
    %eq3A = arith.constant 0 : i32
    %eq3A_3 = arith.cmpi eq, %arg1, %eq3A : i32
    %convert_element_type3A = arith.extui %eq3A_3 : i1 to i32
    %cond3A = arith.constant 0 : i32
    %cond3A_4 = arith.cmpi ne, %convert_element_type3A, %cond3A : i32
    scf.if %cond3A_4 {
      "tpu.region"() ({
        %run_scoped3A = tpu.sem_alloc : memref<!tpu.dma_semaphore, #tpu.memory_space<semaphore_mem>>
        tpu.enqueue_dma source(%arg2 : memref<5000x64xf32, #tpu.memory_space<hbm>>) target(%arg7 : memref<5000x64xf32, #tpu.memory_space<vmem_shared>>) target_semaphore(%run_scoped3A : memref<!tpu.dma_semaphore, #tpu.memory_space<semaphore_mem>>)
        tpu.wait_dma2 semaphore(%run_scoped3A : memref<!tpu.dma_semaphore, #tpu.memory_space<semaphore_mem>>) src(%arg2 : memref<5000x64xf32, #tpu.memory_space<hbm>>) dst(%arg7 : memref<5000x64xf32, #tpu.memory_space<vmem_shared>>)
        tpu.yield
      }) : () -> ()
    } else {
    }
    %barrier3A = arith.constant 0 : index
    tpu.barrier barrier_id(%barrier3A)
    %add3A_5 = arith.constant 0 : i32
    %add3A_6 = arith.addi %mul3A_2, %add3A_5 : i32
    %dma_start3A = arith.constant 0 : i32
    %dma_start3A_7 = arith.constant 0 : i32
    %dma_start3A_8 = arith.constant 0 : i32
    %dma_start3A_9 = arith.constant 0 : i32
    %dma_start3A_10 = tpu.memref_slice %arg5[%dma_start3A, %dma_start3A_8, %dma_start3A_9] : memref<2x4x200xi32, #tpu.memory_space<vmem>> -> memref<1x4x200xi32, #tpu.memory_space<vmem>>
    %dma_start3A_11 = tpu.memref_squeeze %dma_start3A_10 : memref<1x4x200xi32, #tpu.memory_space<vmem>> -> memref<4x200xi32, #tpu.memory_space<vmem>>
    %dma_start3A_12 = arith.constant 0 : i32
    %dma_start3A_13 = tpu.memref_slice %arg3[%add3A_6, %dma_start3A_12] : memref<16384x200xi32, #tpu.memory_space<hbm>> -> memref<4x200xi32, #tpu.memory_space<hbm>>
    %dma_start3A_14 = tpu.memref_slice %arg8[%dma_start3A_7] : memref<2x!tpu.dma_semaphore, #tpu.memory_space<semaphore_mem>> -> memref<1x!tpu.dma_semaphore, #tpu.memory_space<semaphore_mem>>
    %dma_start3A_15 = tpu.memref_squeeze %dma_start3A_14 : memref<1x!tpu.dma_semaphore, #tpu.memory_space<semaphore_mem>> -> memref<!tpu.dma_semaphore, #tpu.memory_space<semaphore_mem>>
    %dma_start3A_16 = arith.constant 0 : i32
    %dma_start3A_17 = arith.constant 0 : i32
    %dma_start3A_18 = tpu.memref_slice %arg5[%dma_start3A, %dma_start3A_16, %dma_start3A_17] : memref<2x4x200xi32, #tpu.memory_space<vmem>> -> memref<1x4x200xi32, #tpu.memory_space<vmem>>
    %dma_start3A_19 = tpu.memref_squeeze %dma_start3A_18 : memref<1x4x200xi32, #tpu.memory_space<vmem>> -> memref<4x200xi32, #tpu.memory_space<vmem>>
    %dma_start3A_20 = arith.constant 0 : i32
    %dma_start3A_21 = tpu.memref_slice %arg3[%add3A_6, %dma_start3A_20] : memref<16384x200xi32, #tpu.memory_space<hbm>> -> memref<4x200xi32, #tpu.memory_space<hbm>>
    tpu.enqueue_dma source(%dma_start3A_21 : memref<4x200xi32, #tpu.memory_space<hbm>>) target(%dma_start3A_19 : memref<4x200xi32, #tpu.memory_space<vmem>>) target_semaphore(%dma_start3A_15 : memref<!tpu.dma_semaphore, #tpu.memory_space<semaphore_mem>>)
    %scan3A = arith.constant 0 : i32
    %scan3A_22 = arith.constant 64 : i32
    %scan3A_23 = arith.addi %scan3A, %scan3A_22 : i32
    %scan3A_24 = arith.constant 1 : i32
    scf.for %scan3A_69 = %scan3A to %scan3A_23 step %scan3A_24  : i32 {
      %mul3A_70 = arith.constant 2 : i32
      %mul3A_71 = arith.muli %mul3A_70, %scan3A_69 : i32
      %add3A_72 = arith.constant 0 : i32
      %add3A_73 = arith.addi %mul3A_71, %add3A_72 : i32
      %add3A_74 = arith.constant 1 : i32
      %add3A_75 = arith.addi %add3A_73, %add3A_74 : i32
      %lt3A = arith.constant 128 : i32
      %lt3A_76 = arith.cmpi slt, %add3A_75, %lt3A : i32
      %convert_element_type3A_77 = arith.extui %lt3A_76 : i1 to i32
      %cond3A_78 = arith.constant 0 : i32
      %cond3A_79 = arith.cmpi ne, %convert_element_type3A_77, %cond3A_78 : i32
      scf.if %cond3A_79 {
        %add3A_726 = arith.constant 1 : i32
        %add3A_727 = arith.addi %add3A_73, %add3A_726 : i32
        %mul3A_728 = arith.constant 4 : i32
        %mul3A_729 = arith.muli %add3A_727, %mul3A_728 : i32
        %add3A_730 = arith.addi %mul3A_2, %mul3A_729 : i32
        %dma_start3A_731 = arith.constant 1 : i32
        %dma_start3A_732 = arith.constant 1 : i32
        %dma_start3A_733 = arith.constant 0 : i32
        %dma_start3A_734 = arith.constant 0 : i32
        %dma_start3A_735 = tpu.memref_slice %arg5[%dma_start3A_731, %dma_start3A_733, %dma_start3A_734] : memref<2x4x200xi32, #tpu.memory_space<vmem>> -> memref<1x4x200xi32, #tpu.memory_space<vmem>>
        %dma_start3A_736 = tpu.memref_squeeze %dma_start3A_735 : memref<1x4x200xi32, #tpu.memory_space<vmem>> -> memref<4x200xi32, #tpu.memory_space<vmem>>
        %dma_start3A_737 = arith.constant 0 : i32
        %dma_start3A_738 = tpu.memref_slice %arg3[%add3A_730, %dma_start3A_737] : memref<16384x200xi32, #tpu.memory_space<hbm>> -> memref<4x200xi32, #tpu.memory_space<hbm>>
        %dma_start3A_739 = tpu.memref_slice %arg8[%dma_start3A_732] : memref<2x!tpu.dma_semaphore, #tpu.memory_space<semaphore_mem>> -> memref<1x!tpu.dma_semaphore, #tpu.memory_space<semaphore_mem>>
        %dma_start3A_740 = tpu.memref_squeeze %dma_start3A_739 : memref<1x!tpu.dma_semaphore, #tpu.memory_space<semaphore_mem>> -> memref<!tpu.dma_semaphore, #tpu.memory_space<semaphore_mem>>
        %dma_start3A_741 = arith.constant 0 : i32
        %dma_start3A_742 = arith.constant 0 : i32
        %dma_start3A_743 = tpu.memref_slice %arg5[%dma_start3A_731, %dma_start3A_741, %dma_start3A_742] : memref<2x4x200xi32, #tpu.memory_space<vmem>> -> memref<1x4x200xi32, #tpu.memory_space<vmem>>
        %dma_start3A_744 = tpu.memref_squeeze %dma_start3A_743 : memref<1x4x200xi32, #tpu.memory_space<vmem>> -> memref<4x200xi32, #tpu.memory_space<vmem>>
        %dma_start3A_745 = arith.constant 0 : i32
        %dma_start3A_746 = tpu.memref_slice %arg3[%add3A_730, %dma_start3A_745] : memref<16384x200xi32, #tpu.memory_space<hbm>> -> memref<4x200xi32, #tpu.memory_space<hbm>>
        tpu.enqueue_dma source(%dma_start3A_746 : memref<4x200xi32, #tpu.memory_space<hbm>>) target(%dma_start3A_744 : memref<4x200xi32, #tpu.memory_space<vmem>>) target_semaphore(%dma_start3A_740 : memref<!tpu.dma_semaphore, #tpu.memory_space<semaphore_mem>>)
      } else {
      }
      %mul3A_80 = arith.constant 4 : i32
      %mul3A_81 = arith.muli %add3A_73, %mul3A_80 : i32
      %add3A_82 = arith.addi %mul3A_2, %mul3A_81 : i32
      %dma_wait3A_83 = arith.constant 0 : i32
      %dma_wait3A_84 = arith.constant 0 : i32
      %dma_wait3A_85 = arith.constant 0 : i32
      %dma_wait3A_86 = arith.constant 0 : i32
      %dma_wait3A_87 = tpu.memref_slice %arg5[%dma_wait3A_83, %dma_wait3A_85, %dma_wait3A_86] : memref<2x4x200xi32, #tpu.memory_space<vmem>> -> memref<1x4x200xi32, #tpu.memory_space<vmem>>
      %dma_wait3A_88 = tpu.memref_squeeze %dma_wait3A_87 : memref<1x4x200xi32, #tpu.memory_space<vmem>> -> memref<4x200xi32, #tpu.memory_space<vmem>>
      %dma_wait3A_89 = arith.constant 0 : i32
      %dma_wait3A_90 = tpu.memref_slice %arg3[%add3A_82, %dma_wait3A_89] : memref<16384x200xi32, #tpu.memory_space<hbm>> -> memref<4x200xi32, #tpu.memory_space<hbm>>
      %dma_wait3A_91 = tpu.memref_slice %arg8[%dma_wait3A_84] : memref<2x!tpu.dma_semaphore, #tpu.memory_space<semaphore_mem>> -> memref<1x!tpu.dma_semaphore, #tpu.memory_space<semaphore_mem>>
      %dma_wait3A_92 = tpu.memref_squeeze %dma_wait3A_91 : memref<1x!tpu.dma_semaphore, #tpu.memory_space<semaphore_mem>> -> memref<!tpu.dma_semaphore, #tpu.memory_space<semaphore_mem>>
      %dma_wait3A_93 = arith.constant 0 : i32
      %dma_wait3A_94 = arith.constant 0 : i32
      %dma_wait3A_95 = tpu.memref_slice %arg5[%dma_wait3A_83, %dma_wait3A_93, %dma_wait3A_94] : memref<2x4x200xi32, #tpu.memory_space<vmem>> -> memref<1x4x200xi32, #tpu.memory_space<vmem>>
      %dma_wait3A_96 = tpu.memref_squeeze %dma_wait3A_95 : memref<1x4x200xi32, #tpu.memory_space<vmem>> -> memref<4x200xi32, #tpu.memory_space<vmem>>
      %dma_wait3A_97 = arith.constant 0 : i32
      %dma_wait3A_98 = tpu.memref_slice %arg3[%add3A_82, %dma_wait3A_97] : memref<16384x200xi32, #tpu.memory_space<hbm>> -> memref<4x200xi32, #tpu.memory_space<hbm>>
      tpu.wait_dma2 semaphore(%dma_wait3A_92 : memref<!tpu.dma_semaphore, #tpu.memory_space<semaphore_mem>>) src(%dma_wait3A_98 : memref<4x200xi32, #tpu.memory_space<hbm>>) dst(%dma_wait3A_96 : memref<4x200xi32, #tpu.memory_space<vmem>>)
      %ge3A = arith.constant 2 : i32
      %ge3A_99 = arith.cmpi sge, %mul3A_71, %ge3A : i32
      %convert_element_type3A_100 = arith.extui %ge3A_99 : i1 to i32
      %cond3A_101 = arith.constant 0 : i32
      %cond3A_102 = arith.cmpi ne, %convert_element_type3A_100, %cond3A_101 : i32
      scf.if %cond3A_102 {
        %sub3A = arith.constant 2 : i32
        %sub3A_726 = arith.subi %add3A_73, %sub3A : i32
        %mul3A_727 = arith.constant 4 : i32
        %mul3A_728 = arith.muli %sub3A_726, %mul3A_727 : i32
        %add3A_729 = arith.addi %mul3A_2, %mul3A_728 : i32
        %dma_wait3A_730 = arith.constant 0 : i32
        %dma_wait3A_731 = arith.constant 0 : i32
        %dma_wait3A_732 = arith.constant 0 : i32
        %dma_wait3A_733 = arith.constant 0 : i32
        %dma_wait3A_734 = arith.constant 0 : i32
        %dma_wait3A_735 = tpu.memref_slice %arg6[%dma_wait3A_730, %dma_wait3A_732, %dma_wait3A_733, %dma_wait3A_734] : memref<2x4x200x64xf32, #tpu.memory_space<vmem>> -> memref<1x4x200x64xf32, #tpu.memory_space<vmem>>
        %dma_wait3A_736 = tpu.memref_squeeze %dma_wait3A_735 : memref<1x4x200x64xf32, #tpu.memory_space<vmem>> -> memref<4x200x64xf32, #tpu.memory_space<vmem>>
        %dma_wait3A_737 = arith.constant 0 : i32
        %dma_wait3A_738 = arith.constant 0 : i32
        %dma_wait3A_739 = tpu.memref_slice %arg4[%add3A_729, %dma_wait3A_737, %dma_wait3A_738] : memref<16384x200x64xf32, #tpu.memory_space<hbm>> -> memref<4x200x64xf32, #tpu.memory_space<hbm>>
        %dma_wait3A_740 = tpu.memref_slice %arg10[%dma_wait3A_731] : memref<2x!tpu.dma_semaphore, #tpu.memory_space<semaphore_mem>> -> memref<1x!tpu.dma_semaphore, #tpu.memory_space<semaphore_mem>>
        %dma_wait3A_741 = tpu.memref_squeeze %dma_wait3A_740 : memref<1x!tpu.dma_semaphore, #tpu.memory_space<semaphore_mem>> -> memref<!tpu.dma_semaphore, #tpu.memory_space<semaphore_mem>>
        %dma_wait3A_742 = arith.constant 0 : i32
        %dma_wait3A_743 = arith.constant 0 : i32
        %dma_wait3A_744 = tpu.memref_slice %arg4[%add3A_729, %dma_wait3A_742, %dma_wait3A_743] : memref<16384x200x64xf32, #tpu.memory_space<hbm>> -> memref<4x200x64xf32, #tpu.memory_space<hbm>>
        %dma_wait3A_745 = arith.constant 0 : i32
        %dma_wait3A_746 = arith.constant 0 : i32
        %dma_wait3A_747 = arith.constant 0 : i32
        %dma_wait3A_748 = tpu.memref_slice %arg6[%dma_wait3A_730, %dma_wait3A_745, %dma_wait3A_746, %dma_wait3A_747] : memref<2x4x200x64xf32, #tpu.memory_space<vmem>> -> memref<1x4x200x64xf32, #tpu.memory_space<vmem>>
        %dma_wait3A_749 = tpu.memref_squeeze %dma_wait3A_748 : memref<1x4x200x64xf32, #tpu.memory_space<vmem>> -> memref<4x200x64xf32, #tpu.memory_space<vmem>>
        tpu.wait_dma2 semaphore(%dma_wait3A_741 : memref<!tpu.dma_semaphore, #tpu.memory_space<semaphore_mem>>) src(%dma_wait3A_749 : memref<4x200x64xf32, #tpu.memory_space<vmem>>) dst(%dma_wait3A_744 : memref<4x200x64xf32, #tpu.memory_space<hbm>>)
      } else {
      }
      %dma_start3A_103 = arith.constant 0 : i32
      %dma_start3A_104 = arith.constant 0 : i32
      %dma_start3A_105 = arith.constant 0 : i32
      %dma_start3A_106 = arith.constant 0 : i32
      %dma_start3A_107 = arith.constant 0 : i32
      %dma_start3A_108 = arith.constant 0 : i32
      %dma_start3A_109 = arith.constant 0 : i32
      %dma_start3A_110 = tpu.memref_slice %arg6[%dma_start3A_105, %dma_start3A_106, %dma_start3A_108, %dma_start3A_109] : memref<2x4x200x64xf32, #tpu.memory_space<vmem>> -> memref<1x1x128x64xf32, #tpu.memory_space<vmem>>
      %dma_start3A_111 = tpu.memref_squeeze %dma_start3A_110 : memref<1x1x128x64xf32, #tpu.memory_space<vmem>> -> memref<128x64xf32, #tpu.memory_space<vmem>>
      %dma_start3A_112 = arith.constant 0 : i32
      %dma_start3A_113 = tpu.memref_slice %arg5[%dma_start3A_103, %dma_start3A_104, %dma_start3A_112] : memref<2x4x200xi32, #tpu.memory_space<vmem>> -> memref<1x1x128xi32, #tpu.memory_space<vmem>>
      %dma_start3A_114 = tpu.memref_squeeze %dma_start3A_113 : memref<1x1x128xi32, #tpu.memory_space<vmem>> -> memref<128xi32, #tpu.memory_space<vmem>>
      %dma_start3A_115 = arith.constant 0 : i32
      %dma_start3A_116 = arith.constant 0 : i32
      %dma_start3A_117 = tpu.memref_slice %arg7[%dma_start3A_115, %dma_start3A_116] : memref<5000x64xf32, #tpu.memory_space<vmem_shared>> -> memref<5000x64xf32, #tpu.memory_space<vmem_shared>>
      %dma_start3A_118 = tpu.memref_slice %arg9[%dma_start3A_107] : memref<2x!tpu.dma_semaphore, #tpu.memory_space<semaphore_mem>> -> memref<1x!tpu.dma_semaphore, #tpu.memory_space<semaphore_mem>>
      %dma_start3A_119 = tpu.memref_squeeze %dma_start3A_118 : memref<1x!tpu.dma_semaphore, #tpu.memory_space<semaphore_mem>> -> memref<!tpu.dma_semaphore, #tpu.memory_space<semaphore_mem>>
      tpu.enqueue_indirect_dma source(%dma_start3A_117 : memref<5000x64xf32, #tpu.memory_space<vmem_shared>>) target(%dma_start3A_111 : memref<128x64xf32, #tpu.memory_space<vmem>>) offsets(%dma_start3A_114 : memref<128xi32, #tpu.memory_space<vmem>>) semaphore(%dma_start3A_119 : memref<!tpu.dma_semaphore, #tpu.memory_space<semaphore_mem>>)
      %dma_start3A_120 = arith.constant 0 : i32
      %dma_start3A_121 = arith.constant 0 : i32
      %dma_start3A_122 = arith.constant 0 : i32
      %dma_start3A_123 = arith.constant 0 : i32
      %dma_start3A_124 = arith.constant 0 : i32
      %dma_start3A_125 = arith.constant 128 : i32
      %dma_start3A_126 = arith.constant 0 : i32
      %dma_start3A_127 = tpu.memref_slice %arg6[%dma_start3A_122, %dma_start3A_123, %dma_start3A_125, %dma_start3A_126] : memref<2x4x200x64xf32, #tpu.memory_space<vmem>> -> memref<1x1x72x64xf32, #tpu.memory_space<vmem>>
      %dma_start3A_128 = tpu.memref_squeeze %dma_start3A_127 : memref<1x1x72x64xf32, #tpu.memory_space<vmem>> -> memref<72x64xf32, #tpu.memory_space<vmem>>
      %dma_start3A_129 = arith.constant 128 : i32
      %dma_start3A_130 = tpu.memref_slice %arg5[%dma_start3A_120, %dma_start3A_121, %dma_start3A_129] : memref<2x4x200xi32, #tpu.memory_space<vmem>> -> memref<1x1x72xi32, #tpu.memory_space<vmem>>
      %dma_start3A_131 = tpu.memref_squeeze %dma_start3A_130 : memref<1x1x72xi32, #tpu.memory_space<vmem>> -> memref<72xi32, #tpu.memory_space<vmem>>
      %dma_start3A_132 = arith.constant 0 : i32
      %dma_start3A_133 = arith.constant 0 : i32
      %dma_start3A_134 = tpu.memref_slice %arg7[%dma_start3A_132, %dma_start3A_133] : memref<5000x64xf32, #tpu.memory_space<vmem_shared>> -> memref<5000x64xf32, #tpu.memory_space<vmem_shared>>
      %dma_start3A_135 = tpu.memref_slice %arg9[%dma_start3A_124] : memref<2x!tpu.dma_semaphore, #tpu.memory_space<semaphore_mem>> -> memref<1x!tpu.dma_semaphore, #tpu.memory_space<semaphore_mem>>
      %dma_start3A_136 = tpu.memref_squeeze %dma_start3A_135 : memref<1x!tpu.dma_semaphore, #tpu.memory_space<semaphore_mem>> -> memref<!tpu.dma_semaphore, #tpu.memory_space<semaphore_mem>>
      tpu.enqueue_indirect_dma source(%dma_start3A_134 : memref<5000x64xf32, #tpu.memory_space<vmem_shared>>) target(%dma_start3A_128 : memref<72x64xf32, #tpu.memory_space<vmem>>) offsets(%dma_start3A_131 : memref<72xi32, #tpu.memory_space<vmem>>) semaphore(%dma_start3A_136 : memref<!tpu.dma_semaphore, #tpu.memory_space<semaphore_mem>>)
      %dma_start3A_137 = arith.constant 0 : i32
      %dma_start3A_138 = arith.constant 1 : i32
      %dma_start3A_139 = arith.constant 0 : i32
      %dma_start3A_140 = arith.constant 1 : i32
      %dma_start3A_141 = arith.constant 0 : i32
      %dma_start3A_142 = arith.constant 0 : i32
      %dma_start3A_143 = arith.constant 0 : i32
      %dma_start3A_144 = tpu.memref_slice %arg6[%dma_start3A_139, %dma_start3A_140, %dma_start3A_142, %dma_start3A_143] : memref<2x4x200x64xf32, #tpu.memory_space<vmem>> -> memref<1x1x128x64xf32, #tpu.memory_space<vmem>>
      %dma_start3A_145 = tpu.memref_squeeze %dma_start3A_144 : memref<1x1x128x64xf32, #tpu.memory_space<vmem>> -> memref<128x64xf32, #tpu.memory_space<vmem>>
      %dma_start3A_146 = arith.constant 0 : i32
      %dma_start3A_147 = tpu.memref_slice %arg5[%dma_start3A_137, %dma_start3A_138, %dma_start3A_146] : memref<2x4x200xi32, #tpu.memory_space<vmem>> -> memref<1x1x128xi32, #tpu.memory_space<vmem>>
      %dma_start3A_148 = tpu.memref_squeeze %dma_start3A_147 : memref<1x1x128xi32, #tpu.memory_space<vmem>> -> memref<128xi32, #tpu.memory_space<vmem>>
      %dma_start3A_149 = arith.constant 0 : i32
      %dma_start3A_150 = arith.constant 0 : i32
      %dma_start3A_151 = tpu.memref_slice %arg7[%dma_start3A_149, %dma_start3A_150] : memref<5000x64xf32, #tpu.memory_space<vmem_shared>> -> memref<5000x64xf32, #tpu.memory_space<vmem_shared>>
      %dma_start3A_152 = tpu.memref_slice %arg9[%dma_start3A_141] : memref<2x!tpu.dma_semaphore, #tpu.memory_space<semaphore_mem>> -> memref<1x!tpu.dma_semaphore, #tpu.memory_space<semaphore_mem>>
      %dma_start3A_153 = tpu.memref_squeeze %dma_start3A_152 : memref<1x!tpu.dma_semaphore, #tpu.memory_space<semaphore_mem>> -> memref<!tpu.dma_semaphore, #tpu.memory_space<semaphore_mem>>
      tpu.enqueue_indirect_dma source(%dma_start3A_151 : memref<5000x64xf32, #tpu.memory_space<vmem_shared>>) target(%dma_start3A_145 : memref<128x64xf32, #tpu.memory_space<vmem>>) offsets(%dma_start3A_148 : memref<128xi32, #tpu.memory_space<vmem>>) semaphore(%dma_start3A_153 : memref<!tpu.dma_semaphore, #tpu.memory_space<semaphore_mem>>)
      %dma_start3A_154 = arith.constant 0 : i32
      %dma_start3A_155 = arith.constant 1 : i32
      %dma_start3A_156 = arith.constant 0 : i32
      %dma_start3A_157 = arith.constant 1 : i32
      %dma_start3A_158 = arith.constant 0 : i32
      %dma_start3A_159 = arith.constant 128 : i32
      %dma_start3A_160 = arith.constant 0 : i32
      %dma_start3A_161 = tpu.memref_slice %arg6[%dma_start3A_156, %dma_start3A_157, %dma_start3A_159, %dma_start3A_160] : memref<2x4x200x64xf32, #tpu.memory_space<vmem>> -> memref<1x1x72x64xf32, #tpu.memory_space<vmem>>
      %dma_start3A_162 = tpu.memref_squeeze %dma_start3A_161 : memref<1x1x72x64xf32, #tpu.memory_space<vmem>> -> memref<72x64xf32, #tpu.memory_space<vmem>>
      %dma_start3A_163 = arith.constant 128 : i32
      %dma_start3A_164 = tpu.memref_slice %arg5[%dma_start3A_154, %dma_start3A_155, %dma_start3A_163] : memref<2x4x200xi32, #tpu.memory_space<vmem>> -> memref<1x1x72xi32, #tpu.memory_space<vmem>>
      %dma_start3A_165 = tpu.memref_squeeze %dma_start3A_164 : memref<1x1x72xi32, #tpu.memory_space<vmem>> -> memref<72xi32, #tpu.memory_space<vmem>>
      %dma_start3A_166 = arith.constant 0 : i32
      %dma_start3A_167 = arith.constant 0 : i32
      %dma_start3A_168 = tpu.memref_slice %arg7[%dma_start3A_166, %dma_start3A_167] : memref<5000x64xf32, #tpu.memory_space<vmem_shared>> -> memref<5000x64xf32, #tpu.memory_space<vmem_shared>>
      %dma_start3A_169 = tpu.memref_slice %arg9[%dma_start3A_158] : memref<2x!tpu.dma_semaphore, #tpu.memory_space<semaphore_mem>> -> memref<1x!tpu.dma_semaphore, #tpu.memory_space<semaphore_mem>>
      %dma_start3A_170 = tpu.memref_squeeze %dma_start3A_169 : memref<1x!tpu.dma_semaphore, #tpu.memory_space<semaphore_mem>> -> memref<!tpu.dma_semaphore, #tpu.memory_space<semaphore_mem>>
      tpu.enqueue_indirect_dma source(%dma_start3A_168 : memref<5000x64xf32, #tpu.memory_space<vmem_shared>>) target(%dma_start3A_162 : memref<72x64xf32, #tpu.memory_space<vmem>>) offsets(%dma_start3A_165 : memref<72xi32, #tpu.memory_space<vmem>>) semaphore(%dma_start3A_170 : memref<!tpu.dma_semaphore, #tpu.memory_space<semaphore_mem>>)
      %dma_start3A_171 = arith.constant 0 : i32
      %dma_start3A_172 = arith.constant 2 : i32
      %dma_start3A_173 = arith.constant 0 : i32
      %dma_start3A_174 = arith.constant 2 : i32
      %dma_start3A_175 = arith.constant 0 : i32
      %dma_start3A_176 = arith.constant 0 : i32
      %dma_start3A_177 = arith.constant 0 : i32
      %dma_start3A_178 = tpu.memref_slice %arg6[%dma_start3A_173, %dma_start3A_174, %dma_start3A_176, %dma_start3A_177] : memref<2x4x200x64xf32, #tpu.memory_space<vmem>> -> memref<1x1x128x64xf32, #tpu.memory_space<vmem>>
      %dma_start3A_179 = tpu.memref_squeeze %dma_start3A_178 : memref<1x1x128x64xf32, #tpu.memory_space<vmem>> -> memref<128x64xf32, #tpu.memory_space<vmem>>
      %dma_start3A_180 = arith.constant 0 : i32
      %dma_start3A_181 = tpu.memref_slice %arg5[%dma_start3A_171, %dma_start3A_172, %dma_start3A_180] : memref<2x4x200xi32, #tpu.memory_space<vmem>> -> memref<1x1x128xi32, #tpu.memory_space<vmem>>
      %dma_start3A_182 = tpu.memref_squeeze %dma_start3A_181 : memref<1x1x128xi32, #tpu.memory_space<vmem>> -> memref<128xi32, #tpu.memory_space<vmem>>
      %dma_start3A_183 = arith.constant 0 : i32
      %dma_start3A_184 = arith.constant 0 : i32
      %dma_start3A_185 = tpu.memref_slice %arg7[%dma_start3A_183, %dma_start3A_184] : memref<5000x64xf32, #tpu.memory_space<vmem_shared>> -> memref<5000x64xf32, #tpu.memory_space<vmem_shared>>
      %dma_start3A_186 = tpu.memref_slice %arg9[%dma_start3A_175] : memref<2x!tpu.dma_semaphore, #tpu.memory_space<semaphore_mem>> -> memref<1x!tpu.dma_semaphore, #tpu.memory_space<semaphore_mem>>
      %dma_start3A_187 = tpu.memref_squeeze %dma_start3A_186 : memref<1x!tpu.dma_semaphore, #tpu.memory_space<semaphore_mem>> -> memref<!tpu.dma_semaphore, #tpu.memory_space<semaphore_mem>>
      tpu.enqueue_indirect_dma source(%dma_start3A_185 : memref<5000x64xf32, #tpu.memory_space<vmem_shared>>) target(%dma_start3A_179 : memref<128x64xf32, #tpu.memory_space<vmem>>) offsets(%dma_start3A_182 : memref<128xi32, #tpu.memory_space<vmem>>) semaphore(%dma_start3A_187 : memref<!tpu.dma_semaphore, #tpu.memory_space<semaphore_mem>>)
      %dma_start3A_188 = arith.constant 0 : i32
      %dma_start3A_189 = arith.constant 2 : i32
      %dma_start3A_190 = arith.constant 0 : i32
      %dma_start3A_191 = arith.constant 2 : i32
      %dma_start3A_192 = arith.constant 0 : i32
      %dma_start3A_193 = arith.constant 128 : i32
      %dma_start3A_194 = arith.constant 0 : i32
      %dma_start3A_195 = tpu.memref_slice %arg6[%dma_start3A_190, %dma_start3A_191, %dma_start3A_193, %dma_start3A_194] : memref<2x4x200x64xf32, #tpu.memory_space<vmem>> -> memref<1x1x72x64xf32, #tpu.memory_space<vmem>>
      %dma_start3A_196 = tpu.memref_squeeze %dma_start3A_195 : memref<1x1x72x64xf32, #tpu.memory_space<vmem>> -> memref<72x64xf32, #tpu.memory_space<vmem>>
      %dma_start3A_197 = arith.constant 128 : i32
      %dma_start3A_198 = tpu.memref_slice %arg5[%dma_start3A_188, %dma_start3A_189, %dma_start3A_197] : memref<2x4x200xi32, #tpu.memory_space<vmem>> -> memref<1x1x72xi32, #tpu.memory_space<vmem>>
      %dma_start3A_199 = tpu.memref_squeeze %dma_start3A_198 : memref<1x1x72xi32, #tpu.memory_space<vmem>> -> memref<72xi32, #tpu.memory_space<vmem>>
      %dma_start3A_200 = arith.constant 0 : i32
      %dma_start3A_201 = arith.constant 0 : i32
      %dma_start3A_202 = tpu.memref_slice %arg7[%dma_start3A_200, %dma_start3A_201] : memref<5000x64xf32, #tpu.memory_space<vmem_shared>> -> memref<5000x64xf32, #tpu.memory_space<vmem_shared>>
      %dma_start3A_203 = tpu.memref_slice %arg9[%dma_start3A_192] : memref<2x!tpu.dma_semaphore, #tpu.memory_space<semaphore_mem>> -> memref<1x!tpu.dma_semaphore, #tpu.memory_space<semaphore_mem>>
      %dma_start3A_204 = tpu.memref_squeeze %dma_start3A_203 : memref<1x!tpu.dma_semaphore, #tpu.memory_space<semaphore_mem>> -> memref<!tpu.dma_semaphore, #tpu.memory_space<semaphore_mem>>
      tpu.enqueue_indirect_dma source(%dma_start3A_202 : memref<5000x64xf32, #tpu.memory_space<vmem_shared>>) target(%dma_start3A_196 : memref<72x64xf32, #tpu.memory_space<vmem>>) offsets(%dma_start3A_199 : memref<72xi32, #tpu.memory_space<vmem>>) semaphore(%dma_start3A_204 : memref<!tpu.dma_semaphore, #tpu.memory_space<semaphore_mem>>)
      %dma_start3A_205 = arith.constant 0 : i32
      %dma_start3A_206 = arith.constant 3 : i32
      %dma_start3A_207 = arith.constant 0 : i32
      %dma_start3A_208 = arith.constant 3 : i32
      %dma_start3A_209 = arith.constant 0 : i32
      %dma_start3A_210 = arith.constant 0 : i32
      %dma_start3A_211 = arith.constant 0 : i32
      %dma_start3A_212 = tpu.memref_slice %arg6[%dma_start3A_207, %dma_start3A_208, %dma_start3A_210, %dma_start3A_211] : memref<2x4x200x64xf32, #tpu.memory_space<vmem>> -> memref<1x1x128x64xf32, #tpu.memory_space<vmem>>
      %dma_start3A_213 = tpu.memref_squeeze %dma_start3A_212 : memref<1x1x128x64xf32, #tpu.memory_space<vmem>> -> memref<128x64xf32, #tpu.memory_space<vmem>>
      %dma_start3A_214 = arith.constant 0 : i32
      %dma_start3A_215 = tpu.memref_slice %arg5[%dma_start3A_205, %dma_start3A_206, %dma_start3A_214] : memref<2x4x200xi32, #tpu.memory_space<vmem>> -> memref<1x1x128xi32, #tpu.memory_space<vmem>>
      %dma_start3A_216 = tpu.memref_squeeze %dma_start3A_215 : memref<1x1x128xi32, #tpu.memory_space<vmem>> -> memref<128xi32, #tpu.memory_space<vmem>>
      %dma_start3A_217 = arith.constant 0 : i32
      %dma_start3A_218 = arith.constant 0 : i32
      %dma_start3A_219 = tpu.memref_slice %arg7[%dma_start3A_217, %dma_start3A_218] : memref<5000x64xf32, #tpu.memory_space<vmem_shared>> -> memref<5000x64xf32, #tpu.memory_space<vmem_shared>>
      %dma_start3A_220 = tpu.memref_slice %arg9[%dma_start3A_209] : memref<2x!tpu.dma_semaphore, #tpu.memory_space<semaphore_mem>> -> memref<1x!tpu.dma_semaphore, #tpu.memory_space<semaphore_mem>>
      %dma_start3A_221 = tpu.memref_squeeze %dma_start3A_220 : memref<1x!tpu.dma_semaphore, #tpu.memory_space<semaphore_mem>> -> memref<!tpu.dma_semaphore, #tpu.memory_space<semaphore_mem>>
      tpu.enqueue_indirect_dma source(%dma_start3A_219 : memref<5000x64xf32, #tpu.memory_space<vmem_shared>>) target(%dma_start3A_213 : memref<128x64xf32, #tpu.memory_space<vmem>>) offsets(%dma_start3A_216 : memref<128xi32, #tpu.memory_space<vmem>>) semaphore(%dma_start3A_221 : memref<!tpu.dma_semaphore, #tpu.memory_space<semaphore_mem>>)
      %dma_start3A_222 = arith.constant 0 : i32
      %dma_start3A_223 = arith.constant 3 : i32
      %dma_start3A_224 = arith.constant 0 : i32
      %dma_start3A_225 = arith.constant 3 : i32
      %dma_start3A_226 = arith.constant 0 : i32
      %dma_start3A_227 = arith.constant 128 : i32
      %dma_start3A_228 = arith.constant 0 : i32
      %dma_start3A_229 = tpu.memref_slice %arg6[%dma_start3A_224, %dma_start3A_225, %dma_start3A_227, %dma_start3A_228] : memref<2x4x200x64xf32, #tpu.memory_space<vmem>> -> memref<1x1x72x64xf32, #tpu.memory_space<vmem>>
      %dma_start3A_230 = tpu.memref_squeeze %dma_start3A_229 : memref<1x1x72x64xf32, #tpu.memory_space<vmem>> -> memref<72x64xf32, #tpu.memory_space<vmem>>
      %dma_start3A_231 = arith.constant 128 : i32
      %dma_start3A_232 = tpu.memref_slice %arg5[%dma_start3A_222, %dma_start3A_223, %dma_start3A_231] : memref<2x4x200xi32, #tpu.memory_space<vmem>> -> memref<1x1x72xi32, #tpu.memory_space<vmem>>
      %dma_start3A_233 = tpu.memref_squeeze %dma_start3A_232 : memref<1x1x72xi32, #tpu.memory_space<vmem>> -> memref<72xi32, #tpu.memory_space<vmem>>
      %dma_start3A_234 = arith.constant 0 : i32
      %dma_start3A_235 = arith.constant 0 : i32
      %dma_start3A_236 = tpu.memref_slice %arg7[%dma_start3A_234, %dma_start3A_235] : memref<5000x64xf32, #tpu.memory_space<vmem_shared>> -> memref<5000x64xf32, #tpu.memory_space<vmem_shared>>
      %dma_start3A_237 = tpu.memref_slice %arg9[%dma_start3A_226] : memref<2x!tpu.dma_semaphore, #tpu.memory_space<semaphore_mem>> -> memref<1x!tpu.dma_semaphore, #tpu.memory_space<semaphore_mem>>
      %dma_start3A_238 = tpu.memref_squeeze %dma_start3A_237 : memref<1x!tpu.dma_semaphore, #tpu.memory_space<semaphore_mem>> -> memref<!tpu.dma_semaphore, #tpu.memory_space<semaphore_mem>>
      tpu.enqueue_indirect_dma source(%dma_start3A_236 : memref<5000x64xf32, #tpu.memory_space<vmem_shared>>) target(%dma_start3A_230 : memref<72x64xf32, #tpu.memory_space<vmem>>) offsets(%dma_start3A_233 : memref<72xi32, #tpu.memory_space<vmem>>) semaphore(%dma_start3A_238 : memref<!tpu.dma_semaphore, #tpu.memory_space<semaphore_mem>>)
      %dma_wait3A_239 = arith.constant 0 : i32
      %dma_wait3A_240 = arith.constant 0 : i32
      %dma_wait3A_241 = arith.constant 0 : i32
      %dma_wait3A_242 = arith.constant 0 : i32
      %dma_wait3A_243 = arith.constant 0 : i32
      %dma_wait3A_244 = arith.constant 0 : i32
      %dma_wait3A_245 = arith.constant 0 : i32
      %dma_wait3A_246 = tpu.memref_slice %arg6[%dma_wait3A_241, %dma_wait3A_242, %dma_wait3A_244, %dma_wait3A_245] : memref<2x4x200x64xf32, #tpu.memory_space<vmem>> -> memref<1x1x128x64xf32, #tpu.memory_space<vmem>>
      %dma_wait3A_247 = tpu.memref_squeeze %dma_wait3A_246 : memref<1x1x128x64xf32, #tpu.memory_space<vmem>> -> memref<128x64xf32, #tpu.memory_space<vmem>>
      %dma_wait3A_248 = arith.constant 0 : i32
      %dma_wait3A_249 = tpu.memref_slice %arg5[%dma_wait3A_239, %dma_wait3A_240, %dma_wait3A_248] : memref<2x4x200xi32, #tpu.memory_space<vmem>> -> memref<1x1x128xi32, #tpu.memory_space<vmem>>
      %dma_wait3A_250 = tpu.memref_squeeze %dma_wait3A_249 : memref<1x1x128xi32, #tpu.memory_space<vmem>> -> memref<128xi32, #tpu.memory_space<vmem>>
      %dma_wait3A_251 = arith.constant 0 : i32
      %dma_wait3A_252 = arith.constant 0 : i32
      %dma_wait3A_253 = tpu.memref_slice %arg7[%dma_wait3A_251, %dma_wait3A_252] : memref<5000x64xf32, #tpu.memory_space<vmem_shared>> -> memref<5000x64xf32, #tpu.memory_space<vmem_shared>>
      %dma_wait3A_254 = tpu.memref_slice %arg9[%dma_wait3A_243] : memref<2x!tpu.dma_semaphore, #tpu.memory_space<semaphore_mem>> -> memref<1x!tpu.dma_semaphore, #tpu.memory_space<semaphore_mem>>
      %dma_wait3A_255 = tpu.memref_squeeze %dma_wait3A_254 : memref<1x!tpu.dma_semaphore, #tpu.memory_space<semaphore_mem>> -> memref<!tpu.dma_semaphore, #tpu.memory_space<semaphore_mem>>
      tpu.wait_indirect_dma semaphore(%dma_wait3A_255 : memref<!tpu.dma_semaphore, #tpu.memory_space<semaphore_mem>>) src(%dma_wait3A_253 : memref<5000x64xf32, #tpu.memory_space<vmem_shared>>) dst(%dma_wait3A_247 : memref<128x64xf32, #tpu.memory_space<vmem>>)
      %dma_wait3A_256 = arith.constant 0 : i32
      %dma_wait3A_257 = arith.constant 0 : i32
      %dma_wait3A_258 = arith.constant 0 : i32
      %dma_wait3A_259 = arith.constant 0 : i32
      %dma_wait3A_260 = arith.constant 0 : i32
      %dma_wait3A_261 = arith.constant 128 : i32
      %dma_wait3A_262 = arith.constant 0 : i32
      %dma_wait3A_263 = tpu.memref_slice %arg6[%dma_wait3A_258, %dma_wait3A_259, %dma_wait3A_261, %dma_wait3A_262] : memref<2x4x200x64xf32, #tpu.memory_space<vmem>> -> memref<1x1x72x64xf32, #tpu.memory_space<vmem>>
      %dma_wait3A_264 = tpu.memref_squeeze %dma_wait3A_263 : memref<1x1x72x64xf32, #tpu.memory_space<vmem>> -> memref<72x64xf32, #tpu.memory_space<vmem>>
      %dma_wait3A_265 = arith.constant 128 : i32
      %dma_wait3A_266 = tpu.memref_slice %arg5[%dma_wait3A_256, %dma_wait3A_257, %dma_wait3A_265] : memref<2x4x200xi32, #tpu.memory_space<vmem>> -> memref<1x1x72xi32, #tpu.memory_space<vmem>>
      %dma_wait3A_267 = tpu.memref_squeeze %dma_wait3A_266 : memref<1x1x72xi32, #tpu.memory_space<vmem>> -> memref<72xi32, #tpu.memory_space<vmem>>
      %dma_wait3A_268 = arith.constant 0 : i32
      %dma_wait3A_269 = arith.constant 0 : i32
      %dma_wait3A_270 = tpu.memref_slice %arg7[%dma_wait3A_268, %dma_wait3A_269] : memref<5000x64xf32, #tpu.memory_space<vmem_shared>> -> memref<5000x64xf32, #tpu.memory_space<vmem_shared>>
      %dma_wait3A_271 = tpu.memref_slice %arg9[%dma_wait3A_260] : memref<2x!tpu.dma_semaphore, #tpu.memory_space<semaphore_mem>> -> memref<1x!tpu.dma_semaphore, #tpu.memory_space<semaphore_mem>>
      %dma_wait3A_272 = tpu.memref_squeeze %dma_wait3A_271 : memref<1x!tpu.dma_semaphore, #tpu.memory_space<semaphore_mem>> -> memref<!tpu.dma_semaphore, #tpu.memory_space<semaphore_mem>>
      tpu.wait_indirect_dma semaphore(%dma_wait3A_272 : memref<!tpu.dma_semaphore, #tpu.memory_space<semaphore_mem>>) src(%dma_wait3A_270 : memref<5000x64xf32, #tpu.memory_space<vmem_shared>>) dst(%dma_wait3A_264 : memref<72x64xf32, #tpu.memory_space<vmem>>)
      %dma_wait3A_273 = arith.constant 0 : i32
      %dma_wait3A_274 = arith.constant 1 : i32
      %dma_wait3A_275 = arith.constant 0 : i32
      %dma_wait3A_276 = arith.constant 1 : i32
      %dma_wait3A_277 = arith.constant 0 : i32
      %dma_wait3A_278 = arith.constant 0 : i32
      %dma_wait3A_279 = arith.constant 0 : i32
      %dma_wait3A_280 = tpu.memref_slice %arg6[%dma_wait3A_275, %dma_wait3A_276, %dma_wait3A_278, %dma_wait3A_279] : memref<2x4x200x64xf32, #tpu.memory_space<vmem>> -> memref<1x1x128x64xf32, #tpu.memory_space<vmem>>
      %dma_wait3A_281 = tpu.memref_squeeze %dma_wait3A_280 : memref<1x1x128x64xf32, #tpu.memory_space<vmem>> -> memref<128x64xf32, #tpu.memory_space<vmem>>
      %dma_wait3A_282 = arith.constant 0 : i32
      %dma_wait3A_283 = tpu.memref_slice %arg5[%dma_wait3A_273, %dma_wait3A_274, %dma_wait3A_282] : memref<2x4x200xi32, #tpu.memory_space<vmem>> -> memref<1x1x128xi32, #tpu.memory_space<vmem>>
      %dma_wait3A_284 = tpu.memref_squeeze %dma_wait3A_283 : memref<1x1x128xi32, #tpu.memory_space<vmem>> -> memref<128xi32, #tpu.memory_space<vmem>>
      %dma_wait3A_285 = arith.constant 0 : i32
      %dma_wait3A_286 = arith.constant 0 : i32
      %dma_wait3A_287 = tpu.memref_slice %arg7[%dma_wait3A_285, %dma_wait3A_286] : memref<5000x64xf32, #tpu.memory_space<vmem_shared>> -> memref<5000x64xf32, #tpu.memory_space<vmem_shared>>
      %dma_wait3A_288 = tpu.memref_slice %arg9[%dma_wait3A_277] : memref<2x!tpu.dma_semaphore, #tpu.memory_space<semaphore_mem>> -> memref<1x!tpu.dma_semaphore, #tpu.memory_space<semaphore_mem>>
      %dma_wait3A_289 = tpu.memref_squeeze %dma_wait3A_288 : memref<1x!tpu.dma_semaphore, #tpu.memory_space<semaphore_mem>> -> memref<!tpu.dma_semaphore, #tpu.memory_space<semaphore_mem>>
      tpu.wait_indirect_dma semaphore(%dma_wait3A_289 : memref<!tpu.dma_semaphore, #tpu.memory_space<semaphore_mem>>) src(%dma_wait3A_287 : memref<5000x64xf32, #tpu.memory_space<vmem_shared>>) dst(%dma_wait3A_281 : memref<128x64xf32, #tpu.memory_space<vmem>>)
      %dma_wait3A_290 = arith.constant 0 : i32
      %dma_wait3A_291 = arith.constant 1 : i32
      %dma_wait3A_292 = arith.constant 0 : i32
      %dma_wait3A_293 = arith.constant 1 : i32
      %dma_wait3A_294 = arith.constant 0 : i32
      %dma_wait3A_295 = arith.constant 128 : i32
      %dma_wait3A_296 = arith.constant 0 : i32
      %dma_wait3A_297 = tpu.memref_slice %arg6[%dma_wait3A_292, %dma_wait3A_293, %dma_wait3A_295, %dma_wait3A_296] : memref<2x4x200x64xf32, #tpu.memory_space<vmem>> -> memref<1x1x72x64xf32, #tpu.memory_space<vmem>>
      %dma_wait3A_298 = tpu.memref_squeeze %dma_wait3A_297 : memref<1x1x72x64xf32, #tpu.memory_space<vmem>> -> memref<72x64xf32, #tpu.memory_space<vmem>>
      %dma_wait3A_299 = arith.constant 128 : i32
      %dma_wait3A_300 = tpu.memref_slice %arg5[%dma_wait3A_290, %dma_wait3A_291, %dma_wait3A_299] : memref<2x4x200xi32, #tpu.memory_space<vmem>> -> memref<1x1x72xi32, #tpu.memory_space<vmem>>
      %dma_wait3A_301 = tpu.memref_squeeze %dma_wait3A_300 : memref<1x1x72xi32, #tpu.memory_space<vmem>> -> memref<72xi32, #tpu.memory_space<vmem>>
      %dma_wait3A_302 = arith.constant 0 : i32
      %dma_wait3A_303 = arith.constant 0 : i32
      %dma_wait3A_304 = tpu.memref_slice %arg7[%dma_wait3A_302, %dma_wait3A_303] : memref<5000x64xf32, #tpu.memory_space<vmem_shared>> -> memref<5000x64xf32, #tpu.memory_space<vmem_shared>>
      %dma_wait3A_305 = tpu.memref_slice %arg9[%dma_wait3A_294] : memref<2x!tpu.dma_semaphore, #tpu.memory_space<semaphore_mem>> -> memref<1x!tpu.dma_semaphore, #tpu.memory_space<semaphore_mem>>
      %dma_wait3A_306 = tpu.memref_squeeze %dma_wait3A_305 : memref<1x!tpu.dma_semaphore, #tpu.memory_space<semaphore_mem>> -> memref<!tpu.dma_semaphore, #tpu.memory_space<semaphore_mem>>
      tpu.wait_indirect_dma semaphore(%dma_wait3A_306 : memref<!tpu.dma_semaphore, #tpu.memory_space<semaphore_mem>>) src(%dma_wait3A_304 : memref<5000x64xf32, #tpu.memory_space<vmem_shared>>) dst(%dma_wait3A_298 : memref<72x64xf32, #tpu.memory_space<vmem>>)
      %dma_wait3A_307 = arith.constant 0 : i32
      %dma_wait3A_308 = arith.constant 2 : i32
      %dma_wait3A_309 = arith.constant 0 : i32
      %dma_wait3A_310 = arith.constant 2 : i32
      %dma_wait3A_311 = arith.constant 0 : i32
      %dma_wait3A_312 = arith.constant 0 : i32
      %dma_wait3A_313 = arith.constant 0 : i32
      %dma_wait3A_314 = tpu.memref_slice %arg6[%dma_wait3A_309, %dma_wait3A_310, %dma_wait3A_312, %dma_wait3A_313] : memref<2x4x200x64xf32, #tpu.memory_space<vmem>> -> memref<1x1x128x64xf32, #tpu.memory_space<vmem>>
      %dma_wait3A_315 = tpu.memref_squeeze %dma_wait3A_314 : memref<1x1x128x64xf32, #tpu.memory_space<vmem>> -> memref<128x64xf32, #tpu.memory_space<vmem>>
      %dma_wait3A_316 = arith.constant 0 : i32
      %dma_wait3A_317 = tpu.memref_slice %arg5[%dma_wait3A_307, %dma_wait3A_308, %dma_wait3A_316] : memref<2x4x200xi32, #tpu.memory_space<vmem>> -> memref<1x1x128xi32, #tpu.memory_space<vmem>>
      %dma_wait3A_318 = tpu.memref_squeeze %dma_wait3A_317 : memref<1x1x128xi32, #tpu.memory_space<vmem>> -> memref<128xi32, #tpu.memory_space<vmem>>
      %dma_wait3A_319 = arith.constant 0 : i32
      %dma_wait3A_320 = arith.constant 0 : i32
      %dma_wait3A_321 = tpu.memref_slice %arg7[%dma_wait3A_319, %dma_wait3A_320] : memref<5000x64xf32, #tpu.memory_space<vmem_shared>> -> memref<5000x64xf32, #tpu.memory_space<vmem_shared>>
      %dma_wait3A_322 = tpu.memref_slice %arg9[%dma_wait3A_311] : memref<2x!tpu.dma_semaphore, #tpu.memory_space<semaphore_mem>> -> memref<1x!tpu.dma_semaphore, #tpu.memory_space<semaphore_mem>>
      %dma_wait3A_323 = tpu.memref_squeeze %dma_wait3A_322 : memref<1x!tpu.dma_semaphore, #tpu.memory_space<semaphore_mem>> -> memref<!tpu.dma_semaphore, #tpu.memory_space<semaphore_mem>>
      tpu.wait_indirect_dma semaphore(%dma_wait3A_323 : memref<!tpu.dma_semaphore, #tpu.memory_space<semaphore_mem>>) src(%dma_wait3A_321 : memref<5000x64xf32, #tpu.memory_space<vmem_shared>>) dst(%dma_wait3A_315 : memref<128x64xf32, #tpu.memory_space<vmem>>)
      %dma_wait3A_324 = arith.constant 0 : i32
      %dma_wait3A_325 = arith.constant 2 : i32
      %dma_wait3A_326 = arith.constant 0 : i32
      %dma_wait3A_327 = arith.constant 2 : i32
      %dma_wait3A_328 = arith.constant 0 : i32
      %dma_wait3A_329 = arith.constant 128 : i32
      %dma_wait3A_330 = arith.constant 0 : i32
      %dma_wait3A_331 = tpu.memref_slice %arg6[%dma_wait3A_326, %dma_wait3A_327, %dma_wait3A_329, %dma_wait3A_330] : memref<2x4x200x64xf32, #tpu.memory_space<vmem>> -> memref<1x1x72x64xf32, #tpu.memory_space<vmem>>
      %dma_wait3A_332 = tpu.memref_squeeze %dma_wait3A_331 : memref<1x1x72x64xf32, #tpu.memory_space<vmem>> -> memref<72x64xf32, #tpu.memory_space<vmem>>
      %dma_wait3A_333 = arith.constant 128 : i32
      %dma_wait3A_334 = tpu.memref_slice %arg5[%dma_wait3A_324, %dma_wait3A_325, %dma_wait3A_333] : memref<2x4x200xi32, #tpu.memory_space<vmem>> -> memref<1x1x72xi32, #tpu.memory_space<vmem>>
      %dma_wait3A_335 = tpu.memref_squeeze %dma_wait3A_334 : memref<1x1x72xi32, #tpu.memory_space<vmem>> -> memref<72xi32, #tpu.memory_space<vmem>>
      %dma_wait3A_336 = arith.constant 0 : i32
      %dma_wait3A_337 = arith.constant 0 : i32
      %dma_wait3A_338 = tpu.memref_slice %arg7[%dma_wait3A_336, %dma_wait3A_337] : memref<5000x64xf32, #tpu.memory_space<vmem_shared>> -> memref<5000x64xf32, #tpu.memory_space<vmem_shared>>
      %dma_wait3A_339 = tpu.memref_slice %arg9[%dma_wait3A_328] : memref<2x!tpu.dma_semaphore, #tpu.memory_space<semaphore_mem>> -> memref<1x!tpu.dma_semaphore, #tpu.memory_space<semaphore_mem>>
      %dma_wait3A_340 = tpu.memref_squeeze %dma_wait3A_339 : memref<1x!tpu.dma_semaphore, #tpu.memory_space<semaphore_mem>> -> memref<!tpu.dma_semaphore, #tpu.memory_space<semaphore_mem>>
      tpu.wait_indirect_dma semaphore(%dma_wait3A_340 : memref<!tpu.dma_semaphore, #tpu.memory_space<semaphore_mem>>) src(%dma_wait3A_338 : memref<5000x64xf32, #tpu.memory_space<vmem_shared>>) dst(%dma_wait3A_332 : memref<72x64xf32, #tpu.memory_space<vmem>>)
      %dma_wait3A_341 = arith.constant 0 : i32
      %dma_wait3A_342 = arith.constant 3 : i32
      %dma_wait3A_343 = arith.constant 0 : i32
      %dma_wait3A_344 = arith.constant 3 : i32
      %dma_wait3A_345 = arith.constant 0 : i32
      %dma_wait3A_346 = arith.constant 0 : i32
      %dma_wait3A_347 = arith.constant 0 : i32
      %dma_wait3A_348 = tpu.memref_slice %arg6[%dma_wait3A_343, %dma_wait3A_344, %dma_wait3A_346, %dma_wait3A_347] : memref<2x4x200x64xf32, #tpu.memory_space<vmem>> -> memref<1x1x128x64xf32, #tpu.memory_space<vmem>>
      %dma_wait3A_349 = tpu.memref_squeeze %dma_wait3A_348 : memref<1x1x128x64xf32, #tpu.memory_space<vmem>> -> memref<128x64xf32, #tpu.memory_space<vmem>>
      %dma_wait3A_350 = arith.constant 0 : i32
      %dma_wait3A_351 = tpu.memref_slice %arg5[%dma_wait3A_341, %dma_wait3A_342, %dma_wait3A_350] : memref<2x4x200xi32, #tpu.memory_space<vmem>> -> memref<1x1x128xi32, #tpu.memory_space<vmem>>
      %dma_wait3A_352 = tpu.memref_squeeze %dma_wait3A_351 : memref<1x1x128xi32, #tpu.memory_space<vmem>> -> memref<128xi32, #tpu.memory_space<vmem>>
      %dma_wait3A_353 = arith.constant 0 : i32
      %dma_wait3A_354 = arith.constant 0 : i32
      %dma_wait3A_355 = tpu.memref_slice %arg7[%dma_wait3A_353, %dma_wait3A_354] : memref<5000x64xf32, #tpu.memory_space<vmem_shared>> -> memref<5000x64xf32, #tpu.memory_space<vmem_shared>>
      %dma_wait3A_356 = tpu.memref_slice %arg9[%dma_wait3A_345] : memref<2x!tpu.dma_semaphore, #tpu.memory_space<semaphore_mem>> -> memref<1x!tpu.dma_semaphore, #tpu.memory_space<semaphore_mem>>
      %dma_wait3A_357 = tpu.memref_squeeze %dma_wait3A_356 : memref<1x!tpu.dma_semaphore, #tpu.memory_space<semaphore_mem>> -> memref<!tpu.dma_semaphore, #tpu.memory_space<semaphore_mem>>
      tpu.wait_indirect_dma semaphore(%dma_wait3A_357 : memref<!tpu.dma_semaphore, #tpu.memory_space<semaphore_mem>>) src(%dma_wait3A_355 : memref<5000x64xf32, #tpu.memory_space<vmem_shared>>) dst(%dma_wait3A_349 : memref<128x64xf32, #tpu.memory_space<vmem>>)
      %dma_wait3A_358 = arith.constant 0 : i32
      %dma_wait3A_359 = arith.constant 3 : i32
      %dma_wait3A_360 = arith.constant 0 : i32
      %dma_wait3A_361 = arith.constant 3 : i32
      %dma_wait3A_362 = arith.constant 0 : i32
      %dma_wait3A_363 = arith.constant 128 : i32
      %dma_wait3A_364 = arith.constant 0 : i32
      %dma_wait3A_365 = tpu.memref_slice %arg6[%dma_wait3A_360, %dma_wait3A_361, %dma_wait3A_363, %dma_wait3A_364] : memref<2x4x200x64xf32, #tpu.memory_space<vmem>> -> memref<1x1x72x64xf32, #tpu.memory_space<vmem>>
      %dma_wait3A_366 = tpu.memref_squeeze %dma_wait3A_365 : memref<1x1x72x64xf32, #tpu.memory_space<vmem>> -> memref<72x64xf32, #tpu.memory_space<vmem>>
      %dma_wait3A_367 = arith.constant 128 : i32
      %dma_wait3A_368 = tpu.memref_slice %arg5[%dma_wait3A_358, %dma_wait3A_359, %dma_wait3A_367] : memref<2x4x200xi32, #tpu.memory_space<vmem>> -> memref<1x1x72xi32, #tpu.memory_space<vmem>>
      %dma_wait3A_369 = tpu.memref_squeeze %dma_wait3A_368 : memref<1x1x72xi32, #tpu.memory_space<vmem>> -> memref<72xi32, #tpu.memory_space<vmem>>
      %dma_wait3A_370 = arith.constant 0 : i32
      %dma_wait3A_371 = arith.constant 0 : i32
      %dma_wait3A_372 = tpu.memref_slice %arg7[%dma_wait3A_370, %dma_wait3A_371] : memref<5000x64xf32, #tpu.memory_space<vmem_shared>> -> memref<5000x64xf32, #tpu.memory_space<vmem_shared>>
      %dma_wait3A_373 = tpu.memref_slice %arg9[%dma_wait3A_362] : memref<2x!tpu.dma_semaphore, #tpu.memory_space<semaphore_mem>> -> memref<1x!tpu.dma_semaphore, #tpu.memory_space<semaphore_mem>>
      %dma_wait3A_374 = tpu.memref_squeeze %dma_wait3A_373 : memref<1x!tpu.dma_semaphore, #tpu.memory_space<semaphore_mem>> -> memref<!tpu.dma_semaphore, #tpu.memory_space<semaphore_mem>>
      tpu.wait_indirect_dma semaphore(%dma_wait3A_374 : memref<!tpu.dma_semaphore, #tpu.memory_space<semaphore_mem>>) src(%dma_wait3A_372 : memref<5000x64xf32, #tpu.memory_space<vmem_shared>>) dst(%dma_wait3A_366 : memref<72x64xf32, #tpu.memory_space<vmem>>)
      %mul3A_375 = arith.constant 4 : i32
      %mul3A_376 = arith.muli %add3A_73, %mul3A_375 : i32
      %add3A_377 = arith.addi %mul3A_2, %mul3A_376 : i32
      %dma_start3A_378 = arith.constant 0 : i32
      %dma_start3A_379 = arith.constant 0 : i32
      %dma_start3A_380 = arith.constant 0 : i32
      %dma_start3A_381 = arith.constant 0 : i32
      %dma_start3A_382 = arith.constant 0 : i32
      %dma_start3A_383 = tpu.memref_slice %arg6[%dma_start3A_378, %dma_start3A_380, %dma_start3A_381, %dma_start3A_382] : memref<2x4x200x64xf32, #tpu.memory_space<vmem>> -> memref<1x4x200x64xf32, #tpu.memory_space<vmem>>
      %dma_start3A_384 = tpu.memref_squeeze %dma_start3A_383 : memref<1x4x200x64xf32, #tpu.memory_space<vmem>> -> memref<4x200x64xf32, #tpu.memory_space<vmem>>
      %dma_start3A_385 = arith.constant 0 : i32
      %dma_start3A_386 = arith.constant 0 : i32
      %dma_start3A_387 = tpu.memref_slice %arg4[%add3A_377, %dma_start3A_385, %dma_start3A_386] : memref<16384x200x64xf32, #tpu.memory_space<hbm>> -> memref<4x200x64xf32, #tpu.memory_space<hbm>>
      %dma_start3A_388 = tpu.memref_slice %arg10[%dma_start3A_379] : memref<2x!tpu.dma_semaphore, #tpu.memory_space<semaphore_mem>> -> memref<1x!tpu.dma_semaphore, #tpu.memory_space<semaphore_mem>>
      %dma_start3A_389 = tpu.memref_squeeze %dma_start3A_388 : memref<1x!tpu.dma_semaphore, #tpu.memory_space<semaphore_mem>> -> memref<!tpu.dma_semaphore, #tpu.memory_space<semaphore_mem>>
      %dma_start3A_390 = arith.constant 0 : i32
      %dma_start3A_391 = arith.constant 0 : i32
      %dma_start3A_392 = tpu.memref_slice %arg4[%add3A_377, %dma_start3A_390, %dma_start3A_391] : memref<16384x200x64xf32, #tpu.memory_space<hbm>> -> memref<4x200x64xf32, #tpu.memory_space<hbm>>
      %dma_start3A_393 = arith.constant 0 : i32
      %dma_start3A_394 = arith.constant 0 : i32
      %dma_start3A_395 = arith.constant 0 : i32
      %dma_start3A_396 = tpu.memref_slice %arg6[%dma_start3A_378, %dma_start3A_393, %dma_start3A_394, %dma_start3A_395] : memref<2x4x200x64xf32, #tpu.memory_space<vmem>> -> memref<1x4x200x64xf32, #tpu.memory_space<vmem>>
      %dma_start3A_397 = tpu.memref_squeeze %dma_start3A_396 : memref<1x4x200x64xf32, #tpu.memory_space<vmem>> -> memref<4x200x64xf32, #tpu.memory_space<vmem>>
      tpu.enqueue_dma source(%dma_start3A_397 : memref<4x200x64xf32, #tpu.memory_space<vmem>>) target(%dma_start3A_392 : memref<4x200x64xf32, #tpu.memory_space<hbm>>) target_semaphore(%dma_start3A_389 : memref<!tpu.dma_semaphore, #tpu.memory_space<semaphore_mem>>)
      %add3A_398 = arith.constant 1 : i32
      %add3A_399 = arith.addi %mul3A_71, %add3A_398 : i32
      %add3A_400 = arith.constant 1 : i32
      %add3A_401 = arith.addi %add3A_399, %add3A_400 : i32
      %lt3A_402 = arith.constant 128 : i32
      %lt3A_403 = arith.cmpi slt, %add3A_401, %lt3A_402 : i32
      %convert_element_type3A_404 = arith.extui %lt3A_403 : i1 to i32
      %cond3A_405 = arith.constant 0 : i32
      %cond3A_406 = arith.cmpi ne, %convert_element_type3A_404, %cond3A_405 : i32
      scf.if %cond3A_406 {
        %add3A_726 = arith.constant 1 : i32
        %add3A_727 = arith.addi %add3A_399, %add3A_726 : i32
        %mul3A_728 = arith.constant 4 : i32
        %mul3A_729 = arith.muli %add3A_727, %mul3A_728 : i32
        %add3A_730 = arith.addi %mul3A_2, %mul3A_729 : i32
        %dma_start3A_731 = arith.constant 0 : i32
        %dma_start3A_732 = arith.constant 0 : i32
        %dma_start3A_733 = arith.constant 0 : i32
        %dma_start3A_734 = arith.constant 0 : i32
        %dma_start3A_735 = tpu.memref_slice %arg5[%dma_start3A_731, %dma_start3A_733, %dma_start3A_734] : memref<2x4x200xi32, #tpu.memory_space<vmem>> -> memref<1x4x200xi32, #tpu.memory_space<vmem>>
        %dma_start3A_736 = tpu.memref_squeeze %dma_start3A_735 : memref<1x4x200xi32, #tpu.memory_space<vmem>> -> memref<4x200xi32, #tpu.memory_space<vmem>>
        %dma_start3A_737 = arith.constant 0 : i32
        %dma_start3A_738 = tpu.memref_slice %arg3[%add3A_730, %dma_start3A_737] : memref<16384x200xi32, #tpu.memory_space<hbm>> -> memref<4x200xi32, #tpu.memory_space<hbm>>
        %dma_start3A_739 = tpu.memref_slice %arg8[%dma_start3A_732] : memref<2x!tpu.dma_semaphore, #tpu.memory_space<semaphore_mem>> -> memref<1x!tpu.dma_semaphore, #tpu.memory_space<semaphore_mem>>
        %dma_start3A_740 = tpu.memref_squeeze %dma_start3A_739 : memref<1x!tpu.dma_semaphore, #tpu.memory_space<semaphore_mem>> -> memref<!tpu.dma_semaphore, #tpu.memory_space<semaphore_mem>>
        %dma_start3A_741 = arith.constant 0 : i32
        %dma_start3A_742 = arith.constant 0 : i32
        %dma_start3A_743 = tpu.memref_slice %arg5[%dma_start3A_731, %dma_start3A_741, %dma_start3A_742] : memref<2x4x200xi32, #tpu.memory_space<vmem>> -> memref<1x4x200xi32, #tpu.memory_space<vmem>>
        %dma_start3A_744 = tpu.memref_squeeze %dma_start3A_743 : memref<1x4x200xi32, #tpu.memory_space<vmem>> -> memref<4x200xi32, #tpu.memory_space<vmem>>
        %dma_start3A_745 = arith.constant 0 : i32
        %dma_start3A_746 = tpu.memref_slice %arg3[%add3A_730, %dma_start3A_745] : memref<16384x200xi32, #tpu.memory_space<hbm>> -> memref<4x200xi32, #tpu.memory_space<hbm>>
        tpu.enqueue_dma source(%dma_start3A_746 : memref<4x200xi32, #tpu.memory_space<hbm>>) target(%dma_start3A_744 : memref<4x200xi32, #tpu.memory_space<vmem>>) target_semaphore(%dma_start3A_740 : memref<!tpu.dma_semaphore, #tpu.memory_space<semaphore_mem>>)
      } else {
      }
      %mul3A_407 = arith.constant 4 : i32
      %mul3A_408 = arith.muli %add3A_399, %mul3A_407 : i32
      %add3A_409 = arith.addi %mul3A_2, %mul3A_408 : i32
      %dma_wait3A_410 = arith.constant 1 : i32
      %dma_wait3A_411 = arith.constant 1 : i32
      %dma_wait3A_412 = arith.constant 0 : i32
      %dma_wait3A_413 = arith.constant 0 : i32
      %dma_wait3A_414 = tpu.memref_slice %arg5[%dma_wait3A_410, %dma_wait3A_412, %dma_wait3A_413] : memref<2x4x200xi32, #tpu.memory_space<vmem>> -> memref<1x4x200xi32, #tpu.memory_space<vmem>>
      %dma_wait3A_415 = tpu.memref_squeeze %dma_wait3A_414 : memref<1x4x200xi32, #tpu.memory_space<vmem>> -> memref<4x200xi32, #tpu.memory_space<vmem>>
      %dma_wait3A_416 = arith.constant 0 : i32
      %dma_wait3A_417 = tpu.memref_slice %arg3[%add3A_409, %dma_wait3A_416] : memref<16384x200xi32, #tpu.memory_space<hbm>> -> memref<4x200xi32, #tpu.memory_space<hbm>>
      %dma_wait3A_418 = tpu.memref_slice %arg8[%dma_wait3A_411] : memref<2x!tpu.dma_semaphore, #tpu.memory_space<semaphore_mem>> -> memref<1x!tpu.dma_semaphore, #tpu.memory_space<semaphore_mem>>
      %dma_wait3A_419 = tpu.memref_squeeze %dma_wait3A_418 : memref<1x!tpu.dma_semaphore, #tpu.memory_space<semaphore_mem>> -> memref<!tpu.dma_semaphore, #tpu.memory_space<semaphore_mem>>
      %dma_wait3A_420 = arith.constant 0 : i32
      %dma_wait3A_421 = arith.constant 0 : i32
      %dma_wait3A_422 = tpu.memref_slice %arg5[%dma_wait3A_410, %dma_wait3A_420, %dma_wait3A_421] : memref<2x4x200xi32, #tpu.memory_space<vmem>> -> memref<1x4x200xi32, #tpu.memory_space<vmem>>
      %dma_wait3A_423 = tpu.memref_squeeze %dma_wait3A_422 : memref<1x4x200xi32, #tpu.memory_space<vmem>> -> memref<4x200xi32, #tpu.memory_space<vmem>>
      %dma_wait3A_424 = arith.constant 0 : i32
      %dma_wait3A_425 = tpu.memref_slice %arg3[%add3A_409, %dma_wait3A_424] : memref<16384x200xi32, #tpu.memory_space<hbm>> -> memref<4x200xi32, #tpu.memory_space<hbm>>
      tpu.wait_dma2 semaphore(%dma_wait3A_419 : memref<!tpu.dma_semaphore, #tpu.memory_space<semaphore_mem>>) src(%dma_wait3A_425 : memref<4x200xi32, #tpu.memory_space<hbm>>) dst(%dma_wait3A_423 : memref<4x200xi32, #tpu.memory_space<vmem>>)
      %ge3A_426 = arith.constant 2 : i32
      %ge3A_427 = arith.cmpi sge, %mul3A_71, %ge3A_426 : i32
      %convert_element_type3A_428 = arith.extui %ge3A_427 : i1 to i32
      %cond3A_429 = arith.constant 0 : i32
      %cond3A_430 = arith.cmpi ne, %convert_element_type3A_428, %cond3A_429 : i32
      scf.if %cond3A_430 {
        %sub3A = arith.constant 2 : i32
        %sub3A_726 = arith.subi %add3A_399, %sub3A : i32
        %mul3A_727 = arith.constant 4 : i32
        %mul3A_728 = arith.muli %sub3A_726, %mul3A_727 : i32
        %add3A_729 = arith.addi %mul3A_2, %mul3A_728 : i32
        %dma_wait3A_730 = arith.constant 1 : i32
        %dma_wait3A_731 = arith.constant 1 : i32
        %dma_wait3A_732 = arith.constant 0 : i32
        %dma_wait3A_733 = arith.constant 0 : i32
        %dma_wait3A_734 = arith.constant 0 : i32
        %dma_wait3A_735 = tpu.memref_slice %arg6[%dma_wait3A_730, %dma_wait3A_732, %dma_wait3A_733, %dma_wait3A_734] : memref<2x4x200x64xf32, #tpu.memory_space<vmem>> -> memref<1x4x200x64xf32, #tpu.memory_space<vmem>>
        %dma_wait3A_736 = tpu.memref_squeeze %dma_wait3A_735 : memref<1x4x200x64xf32, #tpu.memory_space<vmem>> -> memref<4x200x64xf32, #tpu.memory_space<vmem>>
        %dma_wait3A_737 = arith.constant 0 : i32
        %dma_wait3A_738 = arith.constant 0 : i32
        %dma_wait3A_739 = tpu.memref_slice %arg4[%add3A_729, %dma_wait3A_737, %dma_wait3A_738] : memref<16384x200x64xf32, #tpu.memory_space<hbm>> -> memref<4x200x64xf32, #tpu.memory_space<hbm>>
        %dma_wait3A_740 = tpu.memref_slice %arg10[%dma_wait3A_731] : memref<2x!tpu.dma_semaphore, #tpu.memory_space<semaphore_mem>> -> memref<1x!tpu.dma_semaphore, #tpu.memory_space<semaphore_mem>>
        %dma_wait3A_741 = tpu.memref_squeeze %dma_wait3A_740 : memref<1x!tpu.dma_semaphore, #tpu.memory_space<semaphore_mem>> -> memref<!tpu.dma_semaphore, #tpu.memory_space<semaphore_mem>>
        %dma_wait3A_742 = arith.constant 0 : i32
        %dma_wait3A_743 = arith.constant 0 : i32
        %dma_wait3A_744 = tpu.memref_slice %arg4[%add3A_729, %dma_wait3A_742, %dma_wait3A_743] : memref<16384x200x64xf32, #tpu.memory_space<hbm>> -> memref<4x200x64xf32, #tpu.memory_space<hbm>>
        %dma_wait3A_745 = arith.constant 0 : i32
        %dma_wait3A_746 = arith.constant 0 : i32
        %dma_wait3A_747 = arith.constant 0 : i32
        %dma_wait3A_748 = tpu.memref_slice %arg6[%dma_wait3A_730, %dma_wait3A_745, %dma_wait3A_746, %dma_wait3A_747] : memref<2x4x200x64xf32, #tpu.memory_space<vmem>> -> memref<1x4x200x64xf32, #tpu.memory_space<vmem>>
        %dma_wait3A_749 = tpu.memref_squeeze %dma_wait3A_748 : memref<1x4x200x64xf32, #tpu.memory_space<vmem>> -> memref<4x200x64xf32, #tpu.memory_space<vmem>>
        tpu.wait_dma2 semaphore(%dma_wait3A_741 : memref<!tpu.dma_semaphore, #tpu.memory_space<semaphore_mem>>) src(%dma_wait3A_749 : memref<4x200x64xf32, #tpu.memory_space<vmem>>) dst(%dma_wait3A_744 : memref<4x200x64xf32, #tpu.memory_space<hbm>>)
      } else {
      }
      %dma_start3A_431 = arith.constant 1 : i32
      %dma_start3A_432 = arith.constant 0 : i32
      %dma_start3A_433 = arith.constant 1 : i32
      %dma_start3A_434 = arith.constant 0 : i32
      %dma_start3A_435 = arith.constant 1 : i32
      %dma_start3A_436 = arith.constant 0 : i32
      %dma_start3A_437 = arith.constant 0 : i32
      %dma_start3A_438 = tpu.memref_slice %arg6[%dma_start3A_433, %dma_start3A_434, %dma_start3A_436, %dma_start3A_437] : memref<2x4x200x64xf32, #tpu.memory_space<vmem>> -> memref<1x1x128x64xf32, #tpu.memory_space<vmem>>
      %dma_start3A_439 = tpu.memref_squeeze %dma_start3A_438 : memref<1x1x128x64xf32, #tpu.memory_space<vmem>> -> memref<128x64xf32, #tpu.memory_space<vmem>>
      %dma_start3A_440 = arith.constant 0 : i32
      %dma_start3A_441 = tpu.memref_slice %arg5[%dma_start3A_431, %dma_start3A_432, %dma_start3A_440] : memref<2x4x200xi32, #tpu.memory_space<vmem>> -> memref<1x1x128xi32, #tpu.memory_space<vmem>>
      %dma_start3A_442 = tpu.memref_squeeze %dma_start3A_441 : memref<1x1x128xi32, #tpu.memory_space<vmem>> -> memref<128xi32, #tpu.memory_space<vmem>>
      %dma_start3A_443 = arith.constant 0 : i32
      %dma_start3A_444 = arith.constant 0 : i32
      %dma_start3A_445 = tpu.memref_slice %arg7[%dma_start3A_443, %dma_start3A_444] : memref<5000x64xf32, #tpu.memory_space<vmem_shared>> -> memref<5000x64xf32, #tpu.memory_space<vmem_shared>>
      %dma_start3A_446 = tpu.memref_slice %arg9[%dma_start3A_435] : memref<2x!tpu.dma_semaphore, #tpu.memory_space<semaphore_mem>> -> memref<1x!tpu.dma_semaphore, #tpu.memory_space<semaphore_mem>>
      %dma_start3A_447 = tpu.memref_squeeze %dma_start3A_446 : memref<1x!tpu.dma_semaphore, #tpu.memory_space<semaphore_mem>> -> memref<!tpu.dma_semaphore, #tpu.memory_space<semaphore_mem>>
      tpu.enqueue_indirect_dma source(%dma_start3A_445 : memref<5000x64xf32, #tpu.memory_space<vmem_shared>>) target(%dma_start3A_439 : memref<128x64xf32, #tpu.memory_space<vmem>>) offsets(%dma_start3A_442 : memref<128xi32, #tpu.memory_space<vmem>>) semaphore(%dma_start3A_447 : memref<!tpu.dma_semaphore, #tpu.memory_space<semaphore_mem>>)
      %dma_start3A_448 = arith.constant 1 : i32
      %dma_start3A_449 = arith.constant 0 : i32
      %dma_start3A_450 = arith.constant 1 : i32
      %dma_start3A_451 = arith.constant 0 : i32
      %dma_start3A_452 = arith.constant 1 : i32
      %dma_start3A_453 = arith.constant 128 : i32
      %dma_start3A_454 = arith.constant 0 : i32
      %dma_start3A_455 = tpu.memref_slice %arg6[%dma_start3A_450, %dma_start3A_451, %dma_start3A_453, %dma_start3A_454] : memref<2x4x200x64xf32, #tpu.memory_space<vmem>> -> memref<1x1x72x64xf32, #tpu.memory_space<vmem>>
      %dma_start3A_456 = tpu.memref_squeeze %dma_start3A_455 : memref<1x1x72x64xf32, #tpu.memory_space<vmem>> -> memref<72x64xf32, #tpu.memory_space<vmem>>
      %dma_start3A_457 = arith.constant 128 : i32
      %dma_start3A_458 = tpu.memref_slice %arg5[%dma_start3A_448, %dma_start3A_449, %dma_start3A_457] : memref<2x4x200xi32, #tpu.memory_space<vmem>> -> memref<1x1x72xi32, #tpu.memory_space<vmem>>
      %dma_start3A_459 = tpu.memref_squeeze %dma_start3A_458 : memref<1x1x72xi32, #tpu.memory_space<vmem>> -> memref<72xi32, #tpu.memory_space<vmem>>
      %dma_start3A_460 = arith.constant 0 : i32
      %dma_start3A_461 = arith.constant 0 : i32
      %dma_start3A_462 = tpu.memref_slice %arg7[%dma_start3A_460, %dma_start3A_461] : memref<5000x64xf32, #tpu.memory_space<vmem_shared>> -> memref<5000x64xf32, #tpu.memory_space<vmem_shared>>
      %dma_start3A_463 = tpu.memref_slice %arg9[%dma_start3A_452] : memref<2x!tpu.dma_semaphore, #tpu.memory_space<semaphore_mem>> -> memref<1x!tpu.dma_semaphore, #tpu.memory_space<semaphore_mem>>
      %dma_start3A_464 = tpu.memref_squeeze %dma_start3A_463 : memref<1x!tpu.dma_semaphore, #tpu.memory_space<semaphore_mem>> -> memref<!tpu.dma_semaphore, #tpu.memory_space<semaphore_mem>>
      tpu.enqueue_indirect_dma source(%dma_start3A_462 : memref<5000x64xf32, #tpu.memory_space<vmem_shared>>) target(%dma_start3A_456 : memref<72x64xf32, #tpu.memory_space<vmem>>) offsets(%dma_start3A_459 : memref<72xi32, #tpu.memory_space<vmem>>) semaphore(%dma_start3A_464 : memref<!tpu.dma_semaphore, #tpu.memory_space<semaphore_mem>>)
      %dma_start3A_465 = arith.constant 1 : i32
      %dma_start3A_466 = arith.constant 1 : i32
      %dma_start3A_467 = arith.constant 1 : i32
      %dma_start3A_468 = arith.constant 1 : i32
      %dma_start3A_469 = arith.constant 1 : i32
      %dma_start3A_470 = arith.constant 0 : i32
      %dma_start3A_471 = arith.constant 0 : i32
      %dma_start3A_472 = tpu.memref_slice %arg6[%dma_start3A_467, %dma_start3A_468, %dma_start3A_470, %dma_start3A_471] : memref<2x4x200x64xf32, #tpu.memory_space<vmem>> -> memref<1x1x128x64xf32, #tpu.memory_space<vmem>>
      %dma_start3A_473 = tpu.memref_squeeze %dma_start3A_472 : memref<1x1x128x64xf32, #tpu.memory_space<vmem>> -> memref<128x64xf32, #tpu.memory_space<vmem>>
      %dma_start3A_474 = arith.constant 0 : i32
      %dma_start3A_475 = tpu.memref_slice %arg5[%dma_start3A_465, %dma_start3A_466, %dma_start3A_474] : memref<2x4x200xi32, #tpu.memory_space<vmem>> -> memref<1x1x128xi32, #tpu.memory_space<vmem>>
      %dma_start3A_476 = tpu.memref_squeeze %dma_start3A_475 : memref<1x1x128xi32, #tpu.memory_space<vmem>> -> memref<128xi32, #tpu.memory_space<vmem>>
      %dma_start3A_477 = arith.constant 0 : i32
      %dma_start3A_478 = arith.constant 0 : i32
      %dma_start3A_479 = tpu.memref_slice %arg7[%dma_start3A_477, %dma_start3A_478] : memref<5000x64xf32, #tpu.memory_space<vmem_shared>> -> memref<5000x64xf32, #tpu.memory_space<vmem_shared>>
      %dma_start3A_480 = tpu.memref_slice %arg9[%dma_start3A_469] : memref<2x!tpu.dma_semaphore, #tpu.memory_space<semaphore_mem>> -> memref<1x!tpu.dma_semaphore, #tpu.memory_space<semaphore_mem>>
      %dma_start3A_481 = tpu.memref_squeeze %dma_start3A_480 : memref<1x!tpu.dma_semaphore, #tpu.memory_space<semaphore_mem>> -> memref<!tpu.dma_semaphore, #tpu.memory_space<semaphore_mem>>
      tpu.enqueue_indirect_dma source(%dma_start3A_479 : memref<5000x64xf32, #tpu.memory_space<vmem_shared>>) target(%dma_start3A_473 : memref<128x64xf32, #tpu.memory_space<vmem>>) offsets(%dma_start3A_476 : memref<128xi32, #tpu.memory_space<vmem>>) semaphore(%dma_start3A_481 : memref<!tpu.dma_semaphore, #tpu.memory_space<semaphore_mem>>)
      %dma_start3A_482 = arith.constant 1 : i32
      %dma_start3A_483 = arith.constant 1 : i32
      %dma_start3A_484 = arith.constant 1 : i32
      %dma_start3A_485 = arith.constant 1 : i32
      %dma_start3A_486 = arith.constant 1 : i32
      %dma_start3A_487 = arith.constant 128 : i32
      %dma_start3A_488 = arith.constant 0 : i32
      %dma_start3A_489 = tpu.memref_slice %arg6[%dma_start3A_484, %dma_start3A_485, %dma_start3A_487, %dma_start3A_488] : memref<2x4x200x64xf32, #tpu.memory_space<vmem>> -> memref<1x1x72x64xf32, #tpu.memory_space<vmem>>
      %dma_start3A_490 = tpu.memref_squeeze %dma_start3A_489 : memref<1x1x72x64xf32, #tpu.memory_space<vmem>> -> memref<72x64xf32, #tpu.memory_space<vmem>>
      %dma_start3A_491 = arith.constant 128 : i32
      %dma_start3A_492 = tpu.memref_slice %arg5[%dma_start3A_482, %dma_start3A_483, %dma_start3A_491] : memref<2x4x200xi32, #tpu.memory_space<vmem>> -> memref<1x1x72xi32, #tpu.memory_space<vmem>>
      %dma_start3A_493 = tpu.memref_squeeze %dma_start3A_492 : memref<1x1x72xi32, #tpu.memory_space<vmem>> -> memref<72xi32, #tpu.memory_space<vmem>>
      %dma_start3A_494 = arith.constant 0 : i32
      %dma_start3A_495 = arith.constant 0 : i32
      %dma_start3A_496 = tpu.memref_slice %arg7[%dma_start3A_494, %dma_start3A_495] : memref<5000x64xf32, #tpu.memory_space<vmem_shared>> -> memref<5000x64xf32, #tpu.memory_space<vmem_shared>>
      %dma_start3A_497 = tpu.memref_slice %arg9[%dma_start3A_486] : memref<2x!tpu.dma_semaphore, #tpu.memory_space<semaphore_mem>> -> memref<1x!tpu.dma_semaphore, #tpu.memory_space<semaphore_mem>>
      %dma_start3A_498 = tpu.memref_squeeze %dma_start3A_497 : memref<1x!tpu.dma_semaphore, #tpu.memory_space<semaphore_mem>> -> memref<!tpu.dma_semaphore, #tpu.memory_space<semaphore_mem>>
      tpu.enqueue_indirect_dma source(%dma_start3A_496 : memref<5000x64xf32, #tpu.memory_space<vmem_shared>>) target(%dma_start3A_490 : memref<72x64xf32, #tpu.memory_space<vmem>>) offsets(%dma_start3A_493 : memref<72xi32, #tpu.memory_space<vmem>>) semaphore(%dma_start3A_498 : memref<!tpu.dma_semaphore, #tpu.memory_space<semaphore_mem>>)
      %dma_start3A_499 = arith.constant 1 : i32
      %dma_start3A_500 = arith.constant 2 : i32
      %dma_start3A_501 = arith.constant 1 : i32
      %dma_start3A_502 = arith.constant 2 : i32
      %dma_start3A_503 = arith.constant 1 : i32
      %dma_start3A_504 = arith.constant 0 : i32
      %dma_start3A_505 = arith.constant 0 : i32
      %dma_start3A_506 = tpu.memref_slice %arg6[%dma_start3A_501, %dma_start3A_502, %dma_start3A_504, %dma_start3A_505] : memref<2x4x200x64xf32, #tpu.memory_space<vmem>> -> memref<1x1x128x64xf32, #tpu.memory_space<vmem>>
      %dma_start3A_507 = tpu.memref_squeeze %dma_start3A_506 : memref<1x1x128x64xf32, #tpu.memory_space<vmem>> -> memref<128x64xf32, #tpu.memory_space<vmem>>
      %dma_start3A_508 = arith.constant 0 : i32
      %dma_start3A_509 = tpu.memref_slice %arg5[%dma_start3A_499, %dma_start3A_500, %dma_start3A_508] : memref<2x4x200xi32, #tpu.memory_space<vmem>> -> memref<1x1x128xi32, #tpu.memory_space<vmem>>
      %dma_start3A_510 = tpu.memref_squeeze %dma_start3A_509 : memref<1x1x128xi32, #tpu.memory_space<vmem>> -> memref<128xi32, #tpu.memory_space<vmem>>
      %dma_start3A_511 = arith.constant 0 : i32
      %dma_start3A_512 = arith.constant 0 : i32
      %dma_start3A_513 = tpu.memref_slice %arg7[%dma_start3A_511, %dma_start3A_512] : memref<5000x64xf32, #tpu.memory_space<vmem_shared>> -> memref<5000x64xf32, #tpu.memory_space<vmem_shared>>
      %dma_start3A_514 = tpu.memref_slice %arg9[%dma_start3A_503] : memref<2x!tpu.dma_semaphore, #tpu.memory_space<semaphore_mem>> -> memref<1x!tpu.dma_semaphore, #tpu.memory_space<semaphore_mem>>
      %dma_start3A_515 = tpu.memref_squeeze %dma_start3A_514 : memref<1x!tpu.dma_semaphore, #tpu.memory_space<semaphore_mem>> -> memref<!tpu.dma_semaphore, #tpu.memory_space<semaphore_mem>>
      tpu.enqueue_indirect_dma source(%dma_start3A_513 : memref<5000x64xf32, #tpu.memory_space<vmem_shared>>) target(%dma_start3A_507 : memref<128x64xf32, #tpu.memory_space<vmem>>) offsets(%dma_start3A_510 : memref<128xi32, #tpu.memory_space<vmem>>) semaphore(%dma_start3A_515 : memref<!tpu.dma_semaphore, #tpu.memory_space<semaphore_mem>>)
      %dma_start3A_516 = arith.constant 1 : i32
      %dma_start3A_517 = arith.constant 2 : i32
      %dma_start3A_518 = arith.constant 1 : i32
      %dma_start3A_519 = arith.constant 2 : i32
      %dma_start3A_520 = arith.constant 1 : i32
      %dma_start3A_521 = arith.constant 128 : i32
      %dma_start3A_522 = arith.constant 0 : i32
      %dma_start3A_523 = tpu.memref_slice %arg6[%dma_start3A_518, %dma_start3A_519, %dma_start3A_521, %dma_start3A_522] : memref<2x4x200x64xf32, #tpu.memory_space<vmem>> -> memref<1x1x72x64xf32, #tpu.memory_space<vmem>>
      %dma_start3A_524 = tpu.memref_squeeze %dma_start3A_523 : memref<1x1x72x64xf32, #tpu.memory_space<vmem>> -> memref<72x64xf32, #tpu.memory_space<vmem>>
      %dma_start3A_525 = arith.constant 128 : i32
      %dma_start3A_526 = tpu.memref_slice %arg5[%dma_start3A_516, %dma_start3A_517, %dma_start3A_525] : memref<2x4x200xi32, #tpu.memory_space<vmem>> -> memref<1x1x72xi32, #tpu.memory_space<vmem>>
      %dma_start3A_527 = tpu.memref_squeeze %dma_start3A_526 : memref<1x1x72xi32, #tpu.memory_space<vmem>> -> memref<72xi32, #tpu.memory_space<vmem>>
      %dma_start3A_528 = arith.constant 0 : i32
      %dma_start3A_529 = arith.constant 0 : i32
      %dma_start3A_530 = tpu.memref_slice %arg7[%dma_start3A_528, %dma_start3A_529] : memref<5000x64xf32, #tpu.memory_space<vmem_shared>> -> memref<5000x64xf32, #tpu.memory_space<vmem_shared>>
      %dma_start3A_531 = tpu.memref_slice %arg9[%dma_start3A_520] : memref<2x!tpu.dma_semaphore, #tpu.memory_space<semaphore_mem>> -> memref<1x!tpu.dma_semaphore, #tpu.memory_space<semaphore_mem>>
      %dma_start3A_532 = tpu.memref_squeeze %dma_start3A_531 : memref<1x!tpu.dma_semaphore, #tpu.memory_space<semaphore_mem>> -> memref<!tpu.dma_semaphore, #tpu.memory_space<semaphore_mem>>
      tpu.enqueue_indirect_dma source(%dma_start3A_530 : memref<5000x64xf32, #tpu.memory_space<vmem_shared>>) target(%dma_start3A_524 : memref<72x64xf32, #tpu.memory_space<vmem>>) offsets(%dma_start3A_527 : memref<72xi32, #tpu.memory_space<vmem>>) semaphore(%dma_start3A_532 : memref<!tpu.dma_semaphore, #tpu.memory_space<semaphore_mem>>)
      %dma_start3A_533 = arith.constant 1 : i32
      %dma_start3A_534 = arith.constant 3 : i32
      %dma_start3A_535 = arith.constant 1 : i32
      %dma_start3A_536 = arith.constant 3 : i32
      %dma_start3A_537 = arith.constant 1 : i32
      %dma_start3A_538 = arith.constant 0 : i32
      %dma_start3A_539 = arith.constant 0 : i32
      %dma_start3A_540 = tpu.memref_slice %arg6[%dma_start3A_535, %dma_start3A_536, %dma_start3A_538, %dma_start3A_539] : memref<2x4x200x64xf32, #tpu.memory_space<vmem>> -> memref<1x1x128x64xf32, #tpu.memory_space<vmem>>
      %dma_start3A_541 = tpu.memref_squeeze %dma_start3A_540 : memref<1x1x128x64xf32, #tpu.memory_space<vmem>> -> memref<128x64xf32, #tpu.memory_space<vmem>>
      %dma_start3A_542 = arith.constant 0 : i32
      %dma_start3A_543 = tpu.memref_slice %arg5[%dma_start3A_533, %dma_start3A_534, %dma_start3A_542] : memref<2x4x200xi32, #tpu.memory_space<vmem>> -> memref<1x1x128xi32, #tpu.memory_space<vmem>>
      %dma_start3A_544 = tpu.memref_squeeze %dma_start3A_543 : memref<1x1x128xi32, #tpu.memory_space<vmem>> -> memref<128xi32, #tpu.memory_space<vmem>>
      %dma_start3A_545 = arith.constant 0 : i32
      %dma_start3A_546 = arith.constant 0 : i32
      %dma_start3A_547 = tpu.memref_slice %arg7[%dma_start3A_545, %dma_start3A_546] : memref<5000x64xf32, #tpu.memory_space<vmem_shared>> -> memref<5000x64xf32, #tpu.memory_space<vmem_shared>>
      %dma_start3A_548 = tpu.memref_slice %arg9[%dma_start3A_537] : memref<2x!tpu.dma_semaphore, #tpu.memory_space<semaphore_mem>> -> memref<1x!tpu.dma_semaphore, #tpu.memory_space<semaphore_mem>>
      %dma_start3A_549 = tpu.memref_squeeze %dma_start3A_548 : memref<1x!tpu.dma_semaphore, #tpu.memory_space<semaphore_mem>> -> memref<!tpu.dma_semaphore, #tpu.memory_space<semaphore_mem>>
      tpu.enqueue_indirect_dma source(%dma_start3A_547 : memref<5000x64xf32, #tpu.memory_space<vmem_shared>>) target(%dma_start3A_541 : memref<128x64xf32, #tpu.memory_space<vmem>>) offsets(%dma_start3A_544 : memref<128xi32, #tpu.memory_space<vmem>>) semaphore(%dma_start3A_549 : memref<!tpu.dma_semaphore, #tpu.memory_space<semaphore_mem>>)
      %dma_start3A_550 = arith.constant 1 : i32
      %dma_start3A_551 = arith.constant 3 : i32
      %dma_start3A_552 = arith.constant 1 : i32
      %dma_start3A_553 = arith.constant 3 : i32
      %dma_start3A_554 = arith.constant 1 : i32
      %dma_start3A_555 = arith.constant 128 : i32
      %dma_start3A_556 = arith.constant 0 : i32
      %dma_start3A_557 = tpu.memref_slice %arg6[%dma_start3A_552, %dma_start3A_553, %dma_start3A_555, %dma_start3A_556] : memref<2x4x200x64xf32, #tpu.memory_space<vmem>> -> memref<1x1x72x64xf32, #tpu.memory_space<vmem>>
      %dma_start3A_558 = tpu.memref_squeeze %dma_start3A_557 : memref<1x1x72x64xf32, #tpu.memory_space<vmem>> -> memref<72x64xf32, #tpu.memory_space<vmem>>
      %dma_start3A_559 = arith.constant 128 : i32
      %dma_start3A_560 = tpu.memref_slice %arg5[%dma_start3A_550, %dma_start3A_551, %dma_start3A_559] : memref<2x4x200xi32, #tpu.memory_space<vmem>> -> memref<1x1x72xi32, #tpu.memory_space<vmem>>
      %dma_start3A_561 = tpu.memref_squeeze %dma_start3A_560 : memref<1x1x72xi32, #tpu.memory_space<vmem>> -> memref<72xi32, #tpu.memory_space<vmem>>
      %dma_start3A_562 = arith.constant 0 : i32
      %dma_start3A_563 = arith.constant 0 : i32
      %dma_start3A_564 = tpu.memref_slice %arg7[%dma_start3A_562, %dma_start3A_563] : memref<5000x64xf32, #tpu.memory_space<vmem_shared>> -> memref<5000x64xf32, #tpu.memory_space<vmem_shared>>
      %dma_start3A_565 = tpu.memref_slice %arg9[%dma_start3A_554] : memref<2x!tpu.dma_semaphore, #tpu.memory_space<semaphore_mem>> -> memref<1x!tpu.dma_semaphore, #tpu.memory_space<semaphore_mem>>
      %dma_start3A_566 = tpu.memref_squeeze %dma_start3A_565 : memref<1x!tpu.dma_semaphore, #tpu.memory_space<semaphore_mem>> -> memref<!tpu.dma_semaphore, #tpu.memory_space<semaphore_mem>>
      tpu.enqueue_indirect_dma source(%dma_start3A_564 : memref<5000x64xf32, #tpu.memory_space<vmem_shared>>) target(%dma_start3A_558 : memref<72x64xf32, #tpu.memory_space<vmem>>) offsets(%dma_start3A_561 : memref<72xi32, #tpu.memory_space<vmem>>) semaphore(%dma_start3A_566 : memref<!tpu.dma_semaphore, #tpu.memory_space<semaphore_mem>>)
      %dma_wait3A_567 = arith.constant 1 : i32
      %dma_wait3A_568 = arith.constant 0 : i32
      %dma_wait3A_569 = arith.constant 1 : i32
      %dma_wait3A_570 = arith.constant 0 : i32
      %dma_wait3A_571 = arith.constant 1 : i32
      %dma_wait3A_572 = arith.constant 0 : i32
      %dma_wait3A_573 = arith.constant 0 : i32
      %dma_wait3A_574 = tpu.memref_slice %arg6[%dma_wait3A_569, %dma_wait3A_570, %dma_wait3A_572, %dma_wait3A_573] : memref<2x4x200x64xf32, #tpu.memory_space<vmem>> -> memref<1x1x128x64xf32, #tpu.memory_space<vmem>>
      %dma_wait3A_575 = tpu.memref_squeeze %dma_wait3A_574 : memref<1x1x128x64xf32, #tpu.memory_space<vmem>> -> memref<128x64xf32, #tpu.memory_space<vmem>>
      %dma_wait3A_576 = arith.constant 0 : i32
      %dma_wait3A_577 = tpu.memref_slice %arg5[%dma_wait3A_567, %dma_wait3A_568, %dma_wait3A_576] : memref<2x4x200xi32, #tpu.memory_space<vmem>> -> memref<1x1x128xi32, #tpu.memory_space<vmem>>
      %dma_wait3A_578 = tpu.memref_squeeze %dma_wait3A_577 : memref<1x1x128xi32, #tpu.memory_space<vmem>> -> memref<128xi32, #tpu.memory_space<vmem>>
      %dma_wait3A_579 = arith.constant 0 : i32
      %dma_wait3A_580 = arith.constant 0 : i32
      %dma_wait3A_581 = tpu.memref_slice %arg7[%dma_wait3A_579, %dma_wait3A_580] : memref<5000x64xf32, #tpu.memory_space<vmem_shared>> -> memref<5000x64xf32, #tpu.memory_space<vmem_shared>>
      %dma_wait3A_582 = tpu.memref_slice %arg9[%dma_wait3A_571] : memref<2x!tpu.dma_semaphore, #tpu.memory_space<semaphore_mem>> -> memref<1x!tpu.dma_semaphore, #tpu.memory_space<semaphore_mem>>
      %dma_wait3A_583 = tpu.memref_squeeze %dma_wait3A_582 : memref<1x!tpu.dma_semaphore, #tpu.memory_space<semaphore_mem>> -> memref<!tpu.dma_semaphore, #tpu.memory_space<semaphore_mem>>
      tpu.wait_indirect_dma semaphore(%dma_wait3A_583 : memref<!tpu.dma_semaphore, #tpu.memory_space<semaphore_mem>>) src(%dma_wait3A_581 : memref<5000x64xf32, #tpu.memory_space<vmem_shared>>) dst(%dma_wait3A_575 : memref<128x64xf32, #tpu.memory_space<vmem>>)
      %dma_wait3A_584 = arith.constant 1 : i32
      %dma_wait3A_585 = arith.constant 0 : i32
      %dma_wait3A_586 = arith.constant 1 : i32
      %dma_wait3A_587 = arith.constant 0 : i32
      %dma_wait3A_588 = arith.constant 1 : i32
      %dma_wait3A_589 = arith.constant 128 : i32
      %dma_wait3A_590 = arith.constant 0 : i32
      %dma_wait3A_591 = tpu.memref_slice %arg6[%dma_wait3A_586, %dma_wait3A_587, %dma_wait3A_589, %dma_wait3A_590] : memref<2x4x200x64xf32, #tpu.memory_space<vmem>> -> memref<1x1x72x64xf32, #tpu.memory_space<vmem>>
      %dma_wait3A_592 = tpu.memref_squeeze %dma_wait3A_591 : memref<1x1x72x64xf32, #tpu.memory_space<vmem>> -> memref<72x64xf32, #tpu.memory_space<vmem>>
      %dma_wait3A_593 = arith.constant 128 : i32
      %dma_wait3A_594 = tpu.memref_slice %arg5[%dma_wait3A_584, %dma_wait3A_585, %dma_wait3A_593] : memref<2x4x200xi32, #tpu.memory_space<vmem>> -> memref<1x1x72xi32, #tpu.memory_space<vmem>>
      %dma_wait3A_595 = tpu.memref_squeeze %dma_wait3A_594 : memref<1x1x72xi32, #tpu.memory_space<vmem>> -> memref<72xi32, #tpu.memory_space<vmem>>
      %dma_wait3A_596 = arith.constant 0 : i32
      %dma_wait3A_597 = arith.constant 0 : i32
      %dma_wait3A_598 = tpu.memref_slice %arg7[%dma_wait3A_596, %dma_wait3A_597] : memref<5000x64xf32, #tpu.memory_space<vmem_shared>> -> memref<5000x64xf32, #tpu.memory_space<vmem_shared>>
      %dma_wait3A_599 = tpu.memref_slice %arg9[%dma_wait3A_588] : memref<2x!tpu.dma_semaphore, #tpu.memory_space<semaphore_mem>> -> memref<1x!tpu.dma_semaphore, #tpu.memory_space<semaphore_mem>>
      %dma_wait3A_600 = tpu.memref_squeeze %dma_wait3A_599 : memref<1x!tpu.dma_semaphore, #tpu.memory_space<semaphore_mem>> -> memref<!tpu.dma_semaphore, #tpu.memory_space<semaphore_mem>>
      tpu.wait_indirect_dma semaphore(%dma_wait3A_600 : memref<!tpu.dma_semaphore, #tpu.memory_space<semaphore_mem>>) src(%dma_wait3A_598 : memref<5000x64xf32, #tpu.memory_space<vmem_shared>>) dst(%dma_wait3A_592 : memref<72x64xf32, #tpu.memory_space<vmem>>)
      %dma_wait3A_601 = arith.constant 1 : i32
      %dma_wait3A_602 = arith.constant 1 : i32
      %dma_wait3A_603 = arith.constant 1 : i32
      %dma_wait3A_604 = arith.constant 1 : i32
      %dma_wait3A_605 = arith.constant 1 : i32
      %dma_wait3A_606 = arith.constant 0 : i32
      %dma_wait3A_607 = arith.constant 0 : i32
      %dma_wait3A_608 = tpu.memref_slice %arg6[%dma_wait3A_603, %dma_wait3A_604, %dma_wait3A_606, %dma_wait3A_607] : memref<2x4x200x64xf32, #tpu.memory_space<vmem>> -> memref<1x1x128x64xf32, #tpu.memory_space<vmem>>
      %dma_wait3A_609 = tpu.memref_squeeze %dma_wait3A_608 : memref<1x1x128x64xf32, #tpu.memory_space<vmem>> -> memref<128x64xf32, #tpu.memory_space<vmem>>
      %dma_wait3A_610 = arith.constant 0 : i32
      %dma_wait3A_611 = tpu.memref_slice %arg5[%dma_wait3A_601, %dma_wait3A_602, %dma_wait3A_610] : memref<2x4x200xi32, #tpu.memory_space<vmem>> -> memref<1x1x128xi32, #tpu.memory_space<vmem>>
      %dma_wait3A_612 = tpu.memref_squeeze %dma_wait3A_611 : memref<1x1x128xi32, #tpu.memory_space<vmem>> -> memref<128xi32, #tpu.memory_space<vmem>>
      %dma_wait3A_613 = arith.constant 0 : i32
      %dma_wait3A_614 = arith.constant 0 : i32
      %dma_wait3A_615 = tpu.memref_slice %arg7[%dma_wait3A_613, %dma_wait3A_614] : memref<5000x64xf32, #tpu.memory_space<vmem_shared>> -> memref<5000x64xf32, #tpu.memory_space<vmem_shared>>
      %dma_wait3A_616 = tpu.memref_slice %arg9[%dma_wait3A_605] : memref<2x!tpu.dma_semaphore, #tpu.memory_space<semaphore_mem>> -> memref<1x!tpu.dma_semaphore, #tpu.memory_space<semaphore_mem>>
      %dma_wait3A_617 = tpu.memref_squeeze %dma_wait3A_616 : memref<1x!tpu.dma_semaphore, #tpu.memory_space<semaphore_mem>> -> memref<!tpu.dma_semaphore, #tpu.memory_space<semaphore_mem>>
      tpu.wait_indirect_dma semaphore(%dma_wait3A_617 : memref<!tpu.dma_semaphore, #tpu.memory_space<semaphore_mem>>) src(%dma_wait3A_615 : memref<5000x64xf32, #tpu.memory_space<vmem_shared>>) dst(%dma_wait3A_609 : memref<128x64xf32, #tpu.memory_space<vmem>>)
      %dma_wait3A_618 = arith.constant 1 : i32
      %dma_wait3A_619 = arith.constant 1 : i32
      %dma_wait3A_620 = arith.constant 1 : i32
      %dma_wait3A_621 = arith.constant 1 : i32
      %dma_wait3A_622 = arith.constant 1 : i32
      %dma_wait3A_623 = arith.constant 128 : i32
      %dma_wait3A_624 = arith.constant 0 : i32
      %dma_wait3A_625 = tpu.memref_slice %arg6[%dma_wait3A_620, %dma_wait3A_621, %dma_wait3A_623, %dma_wait3A_624] : memref<2x4x200x64xf32, #tpu.memory_space<vmem>> -> memref<1x1x72x64xf32, #tpu.memory_space<vmem>>
      %dma_wait3A_626 = tpu.memref_squeeze %dma_wait3A_625 : memref<1x1x72x64xf32, #tpu.memory_space<vmem>> -> memref<72x64xf32, #tpu.memory_space<vmem>>
      %dma_wait3A_627 = arith.constant 128 : i32
      %dma_wait3A_628 = tpu.memref_slice %arg5[%dma_wait3A_618, %dma_wait3A_619, %dma_wait3A_627] : memref<2x4x200xi32, #tpu.memory_space<vmem>> -> memref<1x1x72xi32, #tpu.memory_space<vmem>>
      %dma_wait3A_629 = tpu.memref_squeeze %dma_wait3A_628 : memref<1x1x72xi32, #tpu.memory_space<vmem>> -> memref<72xi32, #tpu.memory_space<vmem>>
      %dma_wait3A_630 = arith.constant 0 : i32
      %dma_wait3A_631 = arith.constant 0 : i32
      %dma_wait3A_632 = tpu.memref_slice %arg7[%dma_wait3A_630, %dma_wait3A_631] : memref<5000x64xf32, #tpu.memory_space<vmem_shared>> -> memref<5000x64xf32, #tpu.memory_space<vmem_shared>>
      %dma_wait3A_633 = tpu.memref_slice %arg9[%dma_wait3A_622] : memref<2x!tpu.dma_semaphore, #tpu.memory_space<semaphore_mem>> -> memref<1x!tpu.dma_semaphore, #tpu.memory_space<semaphore_mem>>
      %dma_wait3A_634 = tpu.memref_squeeze %dma_wait3A_633 : memref<1x!tpu.dma_semaphore, #tpu.memory_space<semaphore_mem>> -> memref<!tpu.dma_semaphore, #tpu.memory_space<semaphore_mem>>
      tpu.wait_indirect_dma semaphore(%dma_wait3A_634 : memref<!tpu.dma_semaphore, #tpu.memory_space<semaphore_mem>>) src(%dma_wait3A_632 : memref<5000x64xf32, #tpu.memory_space<vmem_shared>>) dst(%dma_wait3A_626 : memref<72x64xf32, #tpu.memory_space<vmem>>)
      %dma_wait3A_635 = arith.constant 1 : i32
      %dma_wait3A_636 = arith.constant 2 : i32
      %dma_wait3A_637 = arith.constant 1 : i32
      %dma_wait3A_638 = arith.constant 2 : i32
      %dma_wait3A_639 = arith.constant 1 : i32
      %dma_wait3A_640 = arith.constant 0 : i32
      %dma_wait3A_641 = arith.constant 0 : i32
      %dma_wait3A_642 = tpu.memref_slice %arg6[%dma_wait3A_637, %dma_wait3A_638, %dma_wait3A_640, %dma_wait3A_641] : memref<2x4x200x64xf32, #tpu.memory_space<vmem>> -> memref<1x1x128x64xf32, #tpu.memory_space<vmem>>
      %dma_wait3A_643 = tpu.memref_squeeze %dma_wait3A_642 : memref<1x1x128x64xf32, #tpu.memory_space<vmem>> -> memref<128x64xf32, #tpu.memory_space<vmem>>
      %dma_wait3A_644 = arith.constant 0 : i32
      %dma_wait3A_645 = tpu.memref_slice %arg5[%dma_wait3A_635, %dma_wait3A_636, %dma_wait3A_644] : memref<2x4x200xi32, #tpu.memory_space<vmem>> -> memref<1x1x128xi32, #tpu.memory_space<vmem>>
      %dma_wait3A_646 = tpu.memref_squeeze %dma_wait3A_645 : memref<1x1x128xi32, #tpu.memory_space<vmem>> -> memref<128xi32, #tpu.memory_space<vmem>>
      %dma_wait3A_647 = arith.constant 0 : i32
      %dma_wait3A_648 = arith.constant 0 : i32
      %dma_wait3A_649 = tpu.memref_slice %arg7[%dma_wait3A_647, %dma_wait3A_648] : memref<5000x64xf32, #tpu.memory_space<vmem_shared>> -> memref<5000x64xf32, #tpu.memory_space<vmem_shared>>
      %dma_wait3A_650 = tpu.memref_slice %arg9[%dma_wait3A_639] : memref<2x!tpu.dma_semaphore, #tpu.memory_space<semaphore_mem>> -> memref<1x!tpu.dma_semaphore, #tpu.memory_space<semaphore_mem>>
      %dma_wait3A_651 = tpu.memref_squeeze %dma_wait3A_650 : memref<1x!tpu.dma_semaphore, #tpu.memory_space<semaphore_mem>> -> memref<!tpu.dma_semaphore, #tpu.memory_space<semaphore_mem>>
      tpu.wait_indirect_dma semaphore(%dma_wait3A_651 : memref<!tpu.dma_semaphore, #tpu.memory_space<semaphore_mem>>) src(%dma_wait3A_649 : memref<5000x64xf32, #tpu.memory_space<vmem_shared>>) dst(%dma_wait3A_643 : memref<128x64xf32, #tpu.memory_space<vmem>>)
      %dma_wait3A_652 = arith.constant 1 : i32
      %dma_wait3A_653 = arith.constant 2 : i32
      %dma_wait3A_654 = arith.constant 1 : i32
      %dma_wait3A_655 = arith.constant 2 : i32
      %dma_wait3A_656 = arith.constant 1 : i32
      %dma_wait3A_657 = arith.constant 128 : i32
      %dma_wait3A_658 = arith.constant 0 : i32
      %dma_wait3A_659 = tpu.memref_slice %arg6[%dma_wait3A_654, %dma_wait3A_655, %dma_wait3A_657, %dma_wait3A_658] : memref<2x4x200x64xf32, #tpu.memory_space<vmem>> -> memref<1x1x72x64xf32, #tpu.memory_space<vmem>>
      %dma_wait3A_660 = tpu.memref_squeeze %dma_wait3A_659 : memref<1x1x72x64xf32, #tpu.memory_space<vmem>> -> memref<72x64xf32, #tpu.memory_space<vmem>>
      %dma_wait3A_661 = arith.constant 128 : i32
      %dma_wait3A_662 = tpu.memref_slice %arg5[%dma_wait3A_652, %dma_wait3A_653, %dma_wait3A_661] : memref<2x4x200xi32, #tpu.memory_space<vmem>> -> memref<1x1x72xi32, #tpu.memory_space<vmem>>
      %dma_wait3A_663 = tpu.memref_squeeze %dma_wait3A_662 : memref<1x1x72xi32, #tpu.memory_space<vmem>> -> memref<72xi32, #tpu.memory_space<vmem>>
      %dma_wait3A_664 = arith.constant 0 : i32
      %dma_wait3A_665 = arith.constant 0 : i32
      %dma_wait3A_666 = tpu.memref_slice %arg7[%dma_wait3A_664, %dma_wait3A_665] : memref<5000x64xf32, #tpu.memory_space<vmem_shared>> -> memref<5000x64xf32, #tpu.memory_space<vmem_shared>>
      %dma_wait3A_667 = tpu.memref_slice %arg9[%dma_wait3A_656] : memref<2x!tpu.dma_semaphore, #tpu.memory_space<semaphore_mem>> -> memref<1x!tpu.dma_semaphore, #tpu.memory_space<semaphore_mem>>
      %dma_wait3A_668 = tpu.memref_squeeze %dma_wait3A_667 : memref<1x!tpu.dma_semaphore, #tpu.memory_space<semaphore_mem>> -> memref<!tpu.dma_semaphore, #tpu.memory_space<semaphore_mem>>
      tpu.wait_indirect_dma semaphore(%dma_wait3A_668 : memref<!tpu.dma_semaphore, #tpu.memory_space<semaphore_mem>>) src(%dma_wait3A_666 : memref<5000x64xf32, #tpu.memory_space<vmem_shared>>) dst(%dma_wait3A_660 : memref<72x64xf32, #tpu.memory_space<vmem>>)
      %dma_wait3A_669 = arith.constant 1 : i32
      %dma_wait3A_670 = arith.constant 3 : i32
      %dma_wait3A_671 = arith.constant 1 : i32
      %dma_wait3A_672 = arith.constant 3 : i32
      %dma_wait3A_673 = arith.constant 1 : i32
      %dma_wait3A_674 = arith.constant 0 : i32
      %dma_wait3A_675 = arith.constant 0 : i32
      %dma_wait3A_676 = tpu.memref_slice %arg6[%dma_wait3A_671, %dma_wait3A_672, %dma_wait3A_674, %dma_wait3A_675] : memref<2x4x200x64xf32, #tpu.memory_space<vmem>> -> memref<1x1x128x64xf32, #tpu.memory_space<vmem>>
      %dma_wait3A_677 = tpu.memref_squeeze %dma_wait3A_676 : memref<1x1x128x64xf32, #tpu.memory_space<vmem>> -> memref<128x64xf32, #tpu.memory_space<vmem>>
      %dma_wait3A_678 = arith.constant 0 : i32
      %dma_wait3A_679 = tpu.memref_slice %arg5[%dma_wait3A_669, %dma_wait3A_670, %dma_wait3A_678] : memref<2x4x200xi32, #tpu.memory_space<vmem>> -> memref<1x1x128xi32, #tpu.memory_space<vmem>>
      %dma_wait3A_680 = tpu.memref_squeeze %dma_wait3A_679 : memref<1x1x128xi32, #tpu.memory_space<vmem>> -> memref<128xi32, #tpu.memory_space<vmem>>
      %dma_wait3A_681 = arith.constant 0 : i32
      %dma_wait3A_682 = arith.constant 0 : i32
      %dma_wait3A_683 = tpu.memref_slice %arg7[%dma_wait3A_681, %dma_wait3A_682] : memref<5000x64xf32, #tpu.memory_space<vmem_shared>> -> memref<5000x64xf32, #tpu.memory_space<vmem_shared>>
      %dma_wait3A_684 = tpu.memref_slice %arg9[%dma_wait3A_673] : memref<2x!tpu.dma_semaphore, #tpu.memory_space<semaphore_mem>> -> memref<1x!tpu.dma_semaphore, #tpu.memory_space<semaphore_mem>>
      %dma_wait3A_685 = tpu.memref_squeeze %dma_wait3A_684 : memref<1x!tpu.dma_semaphore, #tpu.memory_space<semaphore_mem>> -> memref<!tpu.dma_semaphore, #tpu.memory_space<semaphore_mem>>
      tpu.wait_indirect_dma semaphore(%dma_wait3A_685 : memref<!tpu.dma_semaphore, #tpu.memory_space<semaphore_mem>>) src(%dma_wait3A_683 : memref<5000x64xf32, #tpu.memory_space<vmem_shared>>) dst(%dma_wait3A_677 : memref<128x64xf32, #tpu.memory_space<vmem>>)
      %dma_wait3A_686 = arith.constant 1 : i32
      %dma_wait3A_687 = arith.constant 3 : i32
      %dma_wait3A_688 = arith.constant 1 : i32
      %dma_wait3A_689 = arith.constant 3 : i32
      %dma_wait3A_690 = arith.constant 1 : i32
      %dma_wait3A_691 = arith.constant 128 : i32
      %dma_wait3A_692 = arith.constant 0 : i32
      %dma_wait3A_693 = tpu.memref_slice %arg6[%dma_wait3A_688, %dma_wait3A_689, %dma_wait3A_691, %dma_wait3A_692] : memref<2x4x200x64xf32, #tpu.memory_space<vmem>> -> memref<1x1x72x64xf32, #tpu.memory_space<vmem>>
      %dma_wait3A_694 = tpu.memref_squeeze %dma_wait3A_693 : memref<1x1x72x64xf32, #tpu.memory_space<vmem>> -> memref<72x64xf32, #tpu.memory_space<vmem>>
      %dma_wait3A_695 = arith.constant 128 : i32
      %dma_wait3A_696 = tpu.memref_slice %arg5[%dma_wait3A_686, %dma_wait3A_687, %dma_wait3A_695] : memref<2x4x200xi32, #tpu.memory_space<vmem>> -> memref<1x1x72xi32, #tpu.memory_space<vmem>>
      %dma_wait3A_697 = tpu.memref_squeeze %dma_wait3A_696 : memref<1x1x72xi32, #tpu.memory_space<vmem>> -> memref<72xi32, #tpu.memory_space<vmem>>
      %dma_wait3A_698 = arith.constant 0 : i32
      %dma_wait3A_699 = arith.constant 0 : i32
      %dma_wait3A_700 = tpu.memref_slice %arg7[%dma_wait3A_698, %dma_wait3A_699] : memref<5000x64xf32, #tpu.memory_space<vmem_shared>> -> memref<5000x64xf32, #tpu.memory_space<vmem_shared>>
      %dma_wait3A_701 = tpu.memref_slice %arg9[%dma_wait3A_690] : memref<2x!tpu.dma_semaphore, #tpu.memory_space<semaphore_mem>> -> memref<1x!tpu.dma_semaphore, #tpu.memory_space<semaphore_mem>>
      %dma_wait3A_702 = tpu.memref_squeeze %dma_wait3A_701 : memref<1x!tpu.dma_semaphore, #tpu.memory_space<semaphore_mem>> -> memref<!tpu.dma_semaphore, #tpu.memory_space<semaphore_mem>>
      tpu.wait_indirect_dma semaphore(%dma_wait3A_702 : memref<!tpu.dma_semaphore, #tpu.memory_space<semaphore_mem>>) src(%dma_wait3A_700 : memref<5000x64xf32, #tpu.memory_space<vmem_shared>>) dst(%dma_wait3A_694 : memref<72x64xf32, #tpu.memory_space<vmem>>)
      %mul3A_703 = arith.constant 4 : i32
      %mul3A_704 = arith.muli %add3A_399, %mul3A_703 : i32
      %add3A_705 = arith.addi %mul3A_2, %mul3A_704 : i32
      %dma_start3A_706 = arith.constant 1 : i32
      %dma_start3A_707 = arith.constant 1 : i32
      %dma_start3A_708 = arith.constant 0 : i32
      %dma_start3A_709 = arith.constant 0 : i32
      %dma_start3A_710 = arith.constant 0 : i32
      %dma_start3A_711 = tpu.memref_slice %arg6[%dma_start3A_706, %dma_start3A_708, %dma_start3A_709, %dma_start3A_710] : memref<2x4x200x64xf32, #tpu.memory_space<vmem>> -> memref<1x4x200x64xf32, #tpu.memory_space<vmem>>
      %dma_start3A_712 = tpu.memref_squeeze %dma_start3A_711 : memref<1x4x200x64xf32, #tpu.memory_space<vmem>> -> memref<4x200x64xf32, #tpu.memory_space<vmem>>
      %dma_start3A_713 = arith.constant 0 : i32
      %dma_start3A_714 = arith.constant 0 : i32
      %dma_start3A_715 = tpu.memref_slice %arg4[%add3A_705, %dma_start3A_713, %dma_start3A_714] : memref<16384x200x64xf32, #tpu.memory_space<hbm>> -> memref<4x200x64xf32, #tpu.memory_space<hbm>>
      %dma_start3A_716 = tpu.memref_slice %arg10[%dma_start3A_707] : memref<2x!tpu.dma_semaphore, #tpu.memory_space<semaphore_mem>> -> memref<1x!tpu.dma_semaphore, #tpu.memory_space<semaphore_mem>>
      %dma_start3A_717 = tpu.memref_squeeze %dma_start3A_716 : memref<1x!tpu.dma_semaphore, #tpu.memory_space<semaphore_mem>> -> memref<!tpu.dma_semaphore, #tpu.memory_space<semaphore_mem>>
      %dma_start3A_718 = arith.constant 0 : i32
      %dma_start3A_719 = arith.constant 0 : i32
      %dma_start3A_720 = tpu.memref_slice %arg4[%add3A_705, %dma_start3A_718, %dma_start3A_719] : memref<16384x200x64xf32, #tpu.memory_space<hbm>> -> memref<4x200x64xf32, #tpu.memory_space<hbm>>
      %dma_start3A_721 = arith.constant 0 : i32
      %dma_start3A_722 = arith.constant 0 : i32
      %dma_start3A_723 = arith.constant 0 : i32
      %dma_start3A_724 = tpu.memref_slice %arg6[%dma_start3A_706, %dma_start3A_721, %dma_start3A_722, %dma_start3A_723] : memref<2x4x200x64xf32, #tpu.memory_space<vmem>> -> memref<1x4x200x64xf32, #tpu.memory_space<vmem>>
      %dma_start3A_725 = tpu.memref_squeeze %dma_start3A_724 : memref<1x4x200x64xf32, #tpu.memory_space<vmem>> -> memref<4x200x64xf32, #tpu.memory_space<vmem>>
      tpu.enqueue_dma source(%dma_start3A_725 : memref<4x200x64xf32, #tpu.memory_space<vmem>>) target(%dma_start3A_720 : memref<4x200x64xf32, #tpu.memory_space<hbm>>) target_semaphore(%dma_start3A_717 : memref<!tpu.dma_semaphore, #tpu.memory_space<semaphore_mem>>)
    }
    %scan3A_25 = arith.constant 64 : i32
    %add3A_26 = arith.constant 504 : i32
    %add3A_27 = arith.addi %mul3A_2, %add3A_26 : i32
    %dma_wait3A = arith.constant 0 : i32
    %dma_wait3A_28 = arith.constant 0 : i32
    %dma_wait3A_29 = arith.constant 0 : i32
    %dma_wait3A_30 = arith.constant 0 : i32
    %dma_wait3A_31 = arith.constant 0 : i32
    %dma_wait3A_32 = tpu.memref_slice %arg6[%dma_wait3A, %dma_wait3A_29, %dma_wait3A_30, %dma_wait3A_31] : memref<2x4x200x64xf32, #tpu.memory_space<vmem>> -> memref<1x4x200x64xf32, #tpu.memory_space<vmem>>
    %dma_wait3A_33 = tpu.memref_squeeze %dma_wait3A_32 : memref<1x4x200x64xf32, #tpu.memory_space<vmem>> -> memref<4x200x64xf32, #tpu.memory_space<vmem>>
    %dma_wait3A_34 = arith.constant 0 : i32
    %dma_wait3A_35 = arith.constant 0 : i32
    %dma_wait3A_36 = tpu.memref_slice %arg4[%add3A_27, %dma_wait3A_34, %dma_wait3A_35] : memref<16384x200x64xf32, #tpu.memory_space<hbm>> -> memref<4x200x64xf32, #tpu.memory_space<hbm>>
    %dma_wait3A_37 = tpu.memref_slice %arg10[%dma_wait3A_28] : memref<2x!tpu.dma_semaphore, #tpu.memory_space<semaphore_mem>> -> memref<1x!tpu.dma_semaphore, #tpu.memory_space<semaphore_mem>>
    %dma_wait3A_38 = tpu.memref_squeeze %dma_wait3A_37 : memref<1x!tpu.dma_semaphore, #tpu.memory_space<semaphore_mem>> -> memref<!tpu.dma_semaphore, #tpu.memory_space<semaphore_mem>>
    %dma_wait3A_39 = arith.constant 0 : i32
    %dma_wait3A_40 = arith.constant 0 : i32
    %dma_wait3A_41 = tpu.memref_slice %arg4[%add3A_27, %dma_wait3A_39, %dma_wait3A_40] : memref<16384x200x64xf32, #tpu.memory_space<hbm>> -> memref<4x200x64xf32, #tpu.memory_space<hbm>>
    %dma_wait3A_42 = arith.constant 0 : i32
    %dma_wait3A_43 = arith.constant 0 : i32
    %dma_wait3A_44 = arith.constant 0 : i32
    %dma_wait3A_45 = tpu.memref_slice %arg6[%dma_wait3A, %dma_wait3A_42, %dma_wait3A_43, %dma_wait3A_44] : memref<2x4x200x64xf32, #tpu.memory_space<vmem>> -> memref<1x4x200x64xf32, #tpu.memory_space<vmem>>
    %dma_wait3A_46 = tpu.memref_squeeze %dma_wait3A_45 : memref<1x4x200x64xf32, #tpu.memory_space<vmem>> -> memref<4x200x64xf32, #tpu.memory_space<vmem>>
    tpu.wait_dma2 semaphore(%dma_wait3A_38 : memref<!tpu.dma_semaphore, #tpu.memory_space<semaphore_mem>>) src(%dma_wait3A_46 : memref<4x200x64xf32, #tpu.memory_space<vmem>>) dst(%dma_wait3A_41 : memref<4x200x64xf32, #tpu.memory_space<hbm>>)
    %add3A_47 = arith.constant 508 : i32
    %add3A_48 = arith.addi %mul3A_2, %add3A_47 : i32
    %dma_wait3A_49 = arith.constant 1 : i32
    %dma_wait3A_50 = arith.constant 1 : i32
    %dma_wait3A_51 = arith.constant 0 : i32
    %dma_wait3A_52 = arith.constant 0 : i32
    %dma_wait3A_53 = arith.constant 0 : i32
    %dma_wait3A_54 = tpu.memref_slice %arg6[%dma_wait3A_49, %dma_wait3A_51, %dma_wait3A_52, %dma_wait3A_53] : memref<2x4x200x64xf32, #tpu.memory_space<vmem>> -> memref<1x4x200x64xf32, #tpu.memory_space<vmem>>
    %dma_wait3A_55 = tpu.memref_squeeze %dma_wait3A_54 : memref<1x4x200x64xf32, #tpu.memory_space<vmem>> -> memref<4x200x64xf32, #tpu.memory_space<vmem>>
    %dma_wait3A_56 = arith.constant 0 : i32
    %dma_wait3A_57 = arith.constant 0 : i32
    %dma_wait3A_58 = tpu.memref_slice %arg4[%add3A_48, %dma_wait3A_56, %dma_wait3A_57] : memref<16384x200x64xf32, #tpu.memory_space<hbm>> -> memref<4x200x64xf32, #tpu.memory_space<hbm>>
    %dma_wait3A_59 = tpu.memref_slice %arg10[%dma_wait3A_50] : memref<2x!tpu.dma_semaphore, #tpu.memory_space<semaphore_mem>> -> memref<1x!tpu.dma_semaphore, #tpu.memory_space<semaphore_mem>>
    %dma_wait3A_60 = tpu.memref_squeeze %dma_wait3A_59 : memref<1x!tpu.dma_semaphore, #tpu.memory_space<semaphore_mem>> -> memref<!tpu.dma_semaphore, #tpu.memory_space<semaphore_mem>>
    %dma_wait3A_61 = arith.constant 0 : i32
    %dma_wait3A_62 = arith.constant 0 : i32
    %dma_wait3A_63 = tpu.memref_slice %arg4[%add3A_48, %dma_wait3A_61, %dma_wait3A_62] : memref<16384x200x64xf32, #tpu.memory_space<hbm>> -> memref<4x200x64xf32, #tpu.memory_space<hbm>>
    %dma_wait3A_64 = arith.constant 0 : i32
    %dma_wait3A_65 = arith.constant 0 : i32
    %dma_wait3A_66 = arith.constant 0 : i32
    %dma_wait3A_67 = tpu.memref_slice %arg6[%dma_wait3A_49, %dma_wait3A_64, %dma_wait3A_65, %dma_wait3A_66] : memref<2x4x200x64xf32, #tpu.memory_space<vmem>> -> memref<1x4x200x64xf32, #tpu.memory_space<vmem>>
    %dma_wait3A_68 = tpu.memref_squeeze %dma_wait3A_67 : memref<1x4x200x64xf32, #tpu.memory_space<vmem>> -> memref<4x200x64xf32, #tpu.memory_space<vmem>>
    tpu.wait_dma2 semaphore(%dma_wait3A_60 : memref<!tpu.dma_semaphore, #tpu.memory_space<semaphore_mem>>) src(%dma_wait3A_68 : memref<4x200x64xf32, #tpu.memory_space<vmem>>) dst(%dma_wait3A_63 : memref<4x200x64xf32, #tpu.memory_space<hbm>>)
    return
  }
}

</mosaic_0001>

<sc_bundles>
// kernel: _sc_gather.3.cloned.1.call-start
scs
__scs_entry_jumppad:
0x0: {  	(pc) =	sbr.rel $0x88, $3  }
0x1: {  	(tag) =	ssettag $0x0;
	lr =	simm.s32 $0x1  }
0x2: {  	[smem:$0x3F9F] =	sst lr;
	_ =	strace $0xD0000000  }
0x3: {  	_ = 	snop  }
0x4: {  	_ = 	snop  }
0x5: {  	_ = 	snop  }
0x6: {  	_ = 	snop  }
0x7: {  	_ = 	snop  }
__scs_overlays_trampoline_lowered:
0x8: {  	[smem:$0x3FAE] =	sst s0  }
0x9: {  	[smem:$0x3FAF] =	sst s1  }
0xa: {  	[smem:$0x3FB0] =	sst s2  }
0xb: {  	[smem:$0x3FB1] =	sst s3  }
0xc: {  	[smem:$0x3FB2] =	sst s4  }
0xd: {  	[smem:$0x3FB3] =	sst s5  }
0xe: {  	[smem:$0x3FB4] =	sst s6  }
0xf: {  	[smem:$0x3FB5] =	sst s7  }
0x10: {  	[smem:$0x3FB6] =	sst s8  }
0x11: {  	[smem:$0x3FB7] =	sst s9;
	s0 =	simm.s32 @!p0 $0x0  }
0x12: {  	s1 =	sld [smem:$0x3F9D];
	s0 =	simm.s32 @p0 $0x1  }
0x13: {  	[smem:$0x3FB8] =	sst s0;
	s0 =	simm.s32 @!p1 $0x0  }
0x14: {  	s2 =	sld [smem:$0x3F9C];
	s0 =	simm.s32 @p1 $0x1  }
0x15: {  	[smem:$0x3FB9] =	sst s0;
	s0 =	simm.s32 @!p2 $0x0  }
0x16: {  	s3 =	sld [smem:$0x3FDB];
	s0 =	simm.s32 @p2 $0x1  }
0x17: {  	s4 =	simm.s32 $0x1BF5;
	[smem:$0x3FBB] =	sst s0  }
0x18: {  	s0 =	sld [smem:$0x3F9E];
	_ =	swait.ge [sflag:s4], $0x0  }
0x19: {  	s7 =	sld [smem:$0x3F9F]  }
0x1a: {  	s8 =	sadd.s32 $0xFFFFE003, lr  }
0x1b: {  	s9 =	sadd.s32 $0xFFFFFEF7, lr;
	s5 =	simm.s32 $0xFFFFFFFF;
	p2 =	slt.u32 s8, $0xFFFFF086  }
0x1c: {  	p1 =	slt.u32 s9, $0xF7A;
	s5 =	simm.s32 @!p2 $0x0  }
0x1d: {  	s5 =	simm.s32 @p1 $0x1;
	p0 =	seq.s32 s7, s2  }
0x1e: {  	s7 =	smul.u32 @!p0 $0xF7A, s2;
	p2 =	seq.s32 @!p0 s5, $0x0  }
0x1f: {  	s9 =	smul.u32 $0xF7A, s1;
	s8 =	simm.s32 @!p0 $0x1BF5;
	p2 =	por !p2, p0  }
0x20: {  	[sflag:s8] =	ssyncset.s32 @!p0 $0xFFFFF086;
	s6 =	sadd.s32 @!p0 s3, s7;
	s7 =	simm.s32 @!p0 $0x108  }
0x21: {  	s3 =	sadd.s32 s3, s9;
	s6 =	sadd.s32 @!p0 $0x88, s6;
	s7 =	simm.s32 @p2 $0x1082  }
0x22: {  	[simem:s7], [sflag:s8] =	dma.local @!p0 [hbm:s6], $0xF7A  }
0x23: {  	s9 =	sor.u32 $0xD0000000, s2;
	s6 =	simm.s32 $0x108;
	_ =	swait.ge @!p0 [sflag:s8], $0x0  }
0x24: {  	s3 =	sadd.s32 $0x88, s3;
	s6 =	simm.s32 @!p1 $0x1082;
	[sflag:s4] =	ssyncset.s32 $0xFFFFF086  }
0x25: {  	[simem:s6], [sflag:s4] =	dma.local [hbm:s3], $0xF7A  }
0x26: {  	[smem:$0x3F9F] =	sst s1;
	(tag) =	ssettag s2;
	_ =	strace s9  }
0x27: {  	s1 =	sld [smem:$0x3FAF]  }
0x28: {  	s2 =	sld [smem:$0x3FB0]  }
0x29: {  	s4 =	sld [smem:$0x3FB2]  }
0x2a: {  	p0 =	seq.s32 s5, $0x0;
	s5 =	sld [smem:$0x3FB3]  }
0x2b: {  	s6 =	sld [smem:$0x3FB4]  }
0x2c: {  	s7 =	sld [smem:$0x3FB5]  }
0x2d: {  	s3 =	simm.s32 $0x108;
	s8 =	sld [smem:$0x3FB6]  }
0x2e: {  	s3 =	simm.s32 @!p0 $0x1082;
	s9 =	sld [smem:$0x3FB7]  }
0x2f: {  	lr =	sadd.s32 s0, s3;
	s0 =	sld [smem:$0x3FAE]  }
0x30: {  	s3 =	sld [smem:$0x3FB1]  }
0x31: {  	[smem:$0x3FBA] =	sst s10  }
0x32: {  	s10 =	sld [smem:$0x3FB8];
	_ =	sdelay $0x3  }
0x33: {  	p0 =	seq.s32 s10, $0x1;
	s10 =	sld [smem:$0x3FBA];
	_ =	sdelay $0x3  }
0x34: {  	[smem:$0x3FBA] =	sst s10  }
0x35: {  	s10 =	sld [smem:$0x3FB9];
	_ =	sdelay $0x3  }
0x36: {  	p1 =	seq.s32 s10, $0x1;
	s10 =	sld [smem:$0x3FBA];
	_ =	sdelay $0x3  }
0x37: {  	[smem:$0x3FBA] =	sst s10  }
0x38: {  	s10 =	sld [smem:$0x3FBB]  }
0x39: {  	_ = 	snop;
	(pc) =	sbr.ind lr, $3  }
0x3a: {  	_ = 	snop  }
0x3b: {  	_ = 	snop  }
0x3c: {  	p2 =	seq.s32 s10, $0x1;
	s10 =	sld [smem:$0x3FBA]  }
0x3d: {  	_ =	shalt  }
0x3e: {  	_ =	shalt  }
0x3f: {  	_ =	shalt  }
0x40: {  	_ =	shalt  }
0x41: {  	_ =	shalt  }
0x42: {  	_ =	shalt  }
0x43: {  	_ =	shalt  }
0x44: {  	_ =	shalt  }
0x45: {  	_ =	shalt  }
0x46: {  	_ =	shalt  }
0x47: {  	_ =	shalt  }
0x48: {  	_ =	shalt  }
0x49: {  	_ =	shalt  }
0x4a: {  	_ =	shalt  }
0x4b: {  	_ =	shalt  }
0x4c: {  	_ =	shalt  }
0x4d: {  	_ =	shalt  }
0x4e: {  	_ =	shalt  }
0x4f: {  	_ =	shalt  }
0x50: {  	_ =	shalt  }
0x51: {  	_ =	shalt  }
0x52: {  	_ =	shalt  }
0x53: {  	_ =	shalt  }
0x54: {  	_ =	shalt  }
0x55: {  	_ =	shalt  }
0x56: {  	_ =	shalt  }
0x57: {  	_ =	shalt  }
0x58: {  	_ =	shalt  }
0x59: {  	_ =	shalt  }
0x5a: {  	_ =	shalt  }
0x5b: {  	_ =	shalt  }
0x5c: {  	_ =	shalt  }
0x5d: {  	_ =	shalt  }
0x5e: {  	_ =	shalt  }
0x5f: {  	_ =	shalt  }
0x60: {  	_ =	shalt  }
0x61: {  	_ =	shalt  }
0x62: {  	_ =	shalt  }
0x63: {  	_ =	shalt  }
0x64: {  	_ =	shalt  }
0x65: {  	_ =	shalt  }
0x66: {  	_ =	shalt  }
0x67: {  	_ =	shalt  }
0x68: {  	_ =	shalt  }
0x69: {  	_ =	shalt  }
0x6a: {  	_ =	shalt  }
0x6b: {  	_ =	shalt  }
0x6c: {  	_ =	shalt  }
0x6d: {  	_ =	shalt  }
0x6e: {  	_ =	shalt  }
0x6f: {  	_ =	shalt  }
0x70: {  	_ =	shalt  }
0x71: {  	_ =	shalt  }
0x72: {  	_ =	shalt  }
0x73: {  	_ =	shalt  }
0x74: {  	_ =	shalt  }
0x75: {  	_ =	shalt  }
0x76: {  	_ =	shalt  }
0x77: {  	_ =	shalt  }
0x78: {  	_ =	shalt  }
0x79: {  	_ =	shalt  }
0x7a: {  	_ =	shalt  }
0x7b: {  	_ =	shalt  }
0x7c: {  	_ =	shalt  }
0x7d: {  	_ =	shalt  }
0x7e: {  	_ =	shalt  }
0x7f: {  	_ =	shalt  }
0x80: {  	_ =	shalt  }
0x81: {  	_ =	shalt  }
0x82: {  	_ =	shalt  }
0x83: {  	_ =	shalt  }
0x84: {  	_ =	shalt  }
0x85: {  	_ =	shalt  }
0x86: {  	_ =	shalt  }
0x87: {  	_ =	shalt  }
.Lfunc_end0:
.L_simem_size_0:
called_computation.1_lowered:
.L_overlay_start_0:
0x88: {  	s2 =	sld [smem:$0x3FD9]  }
0x89: {  	s3 =	sld [smem:$0x3FFE];
	_ =	sdelay $0x1  }
0x8a: {  	s1 =	srdreg.scid  }
0x8b: {  	s0 =	sand.u32 $0x1, s1  }
0x8c: {  	s17 =	sshll.u32 s0, $0xA;
	s2 =	sadd.s32 s3, s2  }
0x8d: {  	s2 =	sadd.s32 s2, s17  }
0x8e: {  	[smem:$0x3FC6] =	sst s2  }
0x8f: {  	_ = 	snop  }
0x90: {  	s2 =	sld [smem:$0x3FD0];
	(tm) =	ssettm $0x1  }
0x91: {  	s18 =	sld [smem:$0x3FFB];
	_ =	sdelay $0x3  }
0x92: {  	_ =	strace s18  }
0x93: {  	s3 =	sld [smem:$0x3FFC];
	_ =	sdelay $0x3  }
0x94: {  	_ =	strace s3  }
0x95: {  	s3 =	sld [smem:$0x3FFD];
	_ =	sdelay $0x3  }
0x96: {  	_ =	strace s3  }
0x97: {  	_ =	strace $0x8FFFFFFF  }
0x98: {  	s19 =	sld [smem:$0x3FDB];
	_ =	sdelay $0x1  }
0x99: {  	s4 =	simm.s32 $_scs_section_size  }
0x9a: {  	s5 =	simm.s32 $_size__tile_overlayer_lowered;
	s6 =	simm.s32 $_tile_overlayer_lowered  }
0x9b: {  	s22 =	simm.s32 $0x1BFF;
	s21 =	sshll.u32 s6, $0x1;
	s3 =	sadd.s32 s4, s19  }
0x9c: {  	s7 =	simm.s32 $0x0;
	s20 =	sshll.u32 s5, $0x1;
	s5 =	sadd.s32 s21, s3  }
0x9d: {  	[timem:s7], [sflag:s22] =	dma.local [hbm:s5], s20  }
0x9e: {  	_ =	swait.ge [sflag:s22], s20  }
0x9f: {  	s4 =	ssub.s32 $0x0, s20;
	[sflag:s22] =	ssyncset.done $0x0  }
0xa0: {  	[sflag:s22] =	ssyncadd.s32 s4;
	_ =	sdelay $0x1  }
0xa1: {  	s23 =	simm.s32 $0x1B8B  }
0xa2: {  	_ =	swait.ge [sflag:s23], $0x1  }
0xa3: {  	[sflag:s23] =	ssyncset.done $0x0  }
0xa4: {  	s25 =	simm.s32 $0x1B8E;
	s24 =	sld [smem:$0x3FFE];
	[sflag:s23] =	ssyncadd.s32 $0xFFFFFFFF  }
0xa5: {  	s26 =	simm.s32 $execute0_lowered;
	[smem:$0x3FD2] =	sst s25  }
0xa6: {  	s5 =	sshll.u32 s26, $0x1;
	_ =	strace $0x80000046;
	[dreg:$0x1] =	wrdreg $0xFFFFFFFF  }
0xa7: {  	s28 =	simm.s32 $_size_execute0_lowered;
	s3 =	sadd.s32 s3, s5;
	[dreg:$0x0] =	wrdreg $0x0  }
0xa8: {  	s5 =	sshll.u32 s28, $0x1;
	[dreg:$0x2] =	wrdreg s3  }
0xa9: {  	[dreg:$0x3] =	wrdreg s5  }
0xaa: {  	[dreg:$0x4] =	wrdreg $0xC0  }
0xab: {  	_ =	task [dreg:s7], $0x5FFFF  }
0xac: {  	[dreg:$0x1] =	wrdreg $0xFFFFFFFF  }
0xad: {  	[dreg:$0x0] =	wrdreg $0x60  }
0xae: {  	[dreg:$0x2] =	wrdreg s24  }
0xaf: {  	[dreg:$0x3] =	wrdreg s2  }
0xb0: {  	[dreg:$0x4] =	wrdreg $0x196400  }
0xb1: {  	[dreg:$0x5] =	wrdreg $0x9  }
0xb2: {  	_ =	task.clear_ibuf [dreg:s7], $0x6FFFF;
	_ =	strace $0x90000046  }
0xb3: {  	s29 =	simm.s32 $0x9;
	_ =	strace $0x80000048  }
0xb4: {  	_ =	swait.ge [sflag:s29], $0x1  }
0xb5: {  	[sflag:s29] =	ssyncadd.s32 $0xFFFFFFFF  }
0xb6: {  	_ =	strace $0x90000048  }
0xb7: {  	_ =	sfence  }
0xb8: {  	s30 =	sld [smem:$0x0];
	_ =	sdelay $0x2  }
0xb9: {  	s31 =	sshll.u32 s1, $0xD;
	s1 =	sshrl.u32 s1, $0x2  }
0xba: {  	s3 =	sand.u32 $0x4000, s31;
	s1 =	sadd.s32 s1, s30  }
0xbb: {  	s0 =	sor.u32 s3, s0;
	s1 =	sshll.u32 s1, $0x11  }
0xbc: {  	s0 =	sor.u32 s1, s0  }
0xbd: {  	s0 =	sadd.s32 $0x8F2B, s0  }
0xbe: {  	[sflag:s0] =	ssyncadd.remote.s32 $0x1  }
0xbf: {  	_ =	sfence.sel $0xFFFF  }
0xc0: {  	[dreg:$0x0] =	wrdreg $0xFFFFFFFF;
	(pc) =	sbr.abs _section_cstart, $3  }
0xc1: {  	[dreg:$0x1] =	wrdreg $0xFFFFFFFF  }
0xc2: {  	_ =	task.clear_ibuf [dreg:s7], $0x2FFFF;
	_ =	strace $0x9FFFFFFF  }
0xc3: {  	(tm) =	ssettm $0x7FFFFFFF  }
tec
execute0_lowered:
.L_overlay_start_1:
0x0: {  	(tag) =	ssettag $0x1  }
0x1: {  	s0 =	rddreg [dreg:$0x0]  }
0x2: {  	s3 =	rddreg [dreg:$0x1]  }
0x3: {  	s1 =	rddreg [dreg:$0x2]  }
0x4: {  	s2 =	srdreg.scid;
	s4 =	stileid.u32  }
0x5: {  	s11 =	simm.s32 $0x80;
	s12 =	simm.s32 $0x640;
	s13 =	simm.s32 $0x48  }
0x6: {  	s28 =	simm.s32 $0x3;
	s29 =	simm.s32 $0x2;
	s30 =	simm.s32 $0x6  }
0x7: {  	s31 =	simm.s32 $0xCE40;
	s14 =	simm.s32 $0x4B0;
	s15 =	simm.s32 $0x13240  }
0x8: {  	s16 =	simm.s32 $0x530;
	s17 =	simm.s32 $0x15240;
	s18 =	simm.s32 $0x578  }
0x9: {  	s19 =	simm.s32 $0x16440;
	s20 =	simm.s32 $0x5F8;
	s21 =	simm.s32 $0x18440  }
0xa: {  	s22 =	simm.s32 $0x4;
	s5 =	sand.u32 $0x1, s2;
	s2 =	simm.s32 $0x0  }
0xb: {  	s6 =	sshll.u32 s4, $0xA;
	s24 =	sadd.s32 $0x800, s0;
	s8 =	smul.u32 $0x190000, s4  }
0xc: {  	s0 =	sadd.s32 $0xA600, s0;
	s10 =	smul.u32 $0x6400, s4;
	p0 =	sne.s32 s4, $0x0  }
0xd: {  	s4 =	simm.s32 $0x3E8;
	s7 =	sshll.u32 s5, $0x9;
	s26 =	smul.u32 $0x3200, s5  }
0xe: {  	[smem:$0x7FF] =	sst s2;
	s25 =	ssub.s32 $0x2, s5;
	s5 =	smul.u32 $0xC8000, s5  }
0xf: {  	s6 =	sor.u32 s7, s6;
	_ =	strace $0x80000047;
	[dreg:$0x4] =	wrdreg s24  }
0x10: {  	s9 =	sshrl.u32 s25, $0x1;
	s3 =	sadd.s32 s8, s3;
	s6 =	smul.u32 $0x19, s6  }
0x11: {  	s8 =	simm.s32 $0x468;
	s24 =	simm.s32 $0x0;
	s7 =	ssub.s32 s25, s9  }
0x12: {  	s9 =	simm.s32 $0x320;
	s7 =	smax.u32 s7, $0x1;
	s6 =	sadd.s32 s0, s6  }
.Ltmp0:
0x13: {  	[dreg:$0x6] =	wrdreg s7;
	s0 =	sadd.s32 s10, s0;
	(pc) =	sbr.rel .LBB2_1-.Ltmp0, $4  }
0x14: {  	s10 =	simm.s32 $0x1;
	s7 =	simm.s32 $0x12040;
	s0 =	sadd.s32 s26, s0  }
0x15: {  	[dreg:$0x5] =	wrdreg s6;
	s6 =	sadd.s32 s5, s3;
	s0 =	sadd.s32 $0xC8, s0  }
0x16: {  	s3 =	simm.s32 $0xEE40;
	[dreg:$0x7] =	wrdreg s0;
	s0 =	sshrl.u32 @!p0 s1, $0x3  }
0x17: {  	s5 =	simm.s32 $0x10040;
	[dreg:$0x8] =	wrdreg s0;
	s0 =	simm.s32 $0x3A0  }
.LBB2_7:
0x18: {  	s23 =	simm.s32 $0x5  }
0x19: {  	_ =	swait.ge [sflag:s23], $0xC800  }
0x1a: {  	[sflag:s23] =	ssyncset.done $0x0  }
0x1b: {  	[sflag:s23] =	ssyncadd.s32 $0xFFFF3800  }
0x1c: {  	_ =	swait.ge [sflag:s30], $0xC800  }
0x1d: {  	s24 =	rddreg [dreg:$0x9]  }
0x1e: {  	s26 =	rddreg [dreg:$0x6];
	s24 =	sadd.s32 $0x1, s24  }
0x1f: {  	p1 =	sne.s32 s24, s26  }
.Ltmp1:
0x20: {  	_ = 	snop;
	(pc) =	sbr.rel @!p1 .LBB2_8-.Ltmp1, $3  }
0x21: {  	_ =	sdelay $0x1  }
0x22: {  	[sflag:s30] =	ssyncset.done $0x0  }
0x23: {  	[sflag:s30] =	ssyncadd.s32 $0xFFFF3800  }
.LBB2_1:
0x24: {  	[dreg:$0x9] =	wrdreg s24  }
0x25: {  	s24 =	rddreg [dreg:$0x4]  }
0x26: {  	s23 =	simm.s32 @!p0 $0x1C07;
	s25 =	rddreg [dreg:$0x8]  }
0x27: {  	[spmem:s25], [sflag:s23] =	dma.local @!p0 [hbm:s24], $0x9C40  }
0x28: {  	s23 =	simm.s32 @!p0 $0x7  }
0x29: {  	_ =	swait.ge @!p0 [sflag:s23], $0x9C40  }
0x2a: {  	[sflag:s23] =	ssyncset.done @!p0 $0x0  }
.Ltmp2:
0x2b: {  	[sflag:s23] =	ssyncadd.s32 @!p0 $0xFFFF63C0;
	(pc) =	sbr.rel .LBB2_2-.Ltmp2, $4  }
0x2c: {  	[bflag:$0x0] =	sbarrier.arrive $0xFFFF  }
0x2d: {  	s26 =	rddreg [dreg:$0x5]  }
0x2e: {  	s24 =	simm.s32 $0x0;
	s23 =	rddreg [dreg:$0x7]  }
0x2f: {  	[tilespmem:s2], [sflag:$0x1] =	stream.linear.gather [hbm4b:s26+s2], $0x320, $0x38;
	[tilespmem:$0x1E460] =	vst v63  }
.LBB2_3:
0x30: {  	_ =	swait.ge [sflag:s29], $0x320  }
0x31: {  	[sflag:s29] =	ssyncset.done $0x0  }
0x32: {  	[sflag:s29] =	ssyncadd.s32 $0xFFFFFCE0  }
.LBB2_5:
0x33: {  	_ =	swait.ge [sflag:s30], $0xC800  }
0x34: {  	[sflag:s30] =	ssyncset.done $0x0  }
0x35: {  	[sflag:s30] =	ssyncadd.s32 $0xFFFF3800  }
.LBB2_6:
0x36: {  	[tilespmem:s31], [sflag:$0x4] =	stream.indirect.gather [spmem:s1], $0x40, s9, s11, $0xb8;
	[tilespmem:$0x1E460] =	vst v63  }
0x37: {  	_ = 	snop  }
0x38: {  	[tilespmem:s3], [sflag:$0x4] =	stream.indirect.gather [spmem:s1], $0x40, s0, s13, $0xb8;
	[tilespmem:$0x1E460] =	vst v63  }
0x39: {  	_ = 	snop  }
0x3a: {  	[tilespmem:s5], [sflag:$0x4] =	stream.indirect.gather [spmem:s1], $0x40, s4, s11, $0xb8;
	[tilespmem:$0x1E460] =	vst v63  }
0x3b: {  	_ = 	snop  }
0x3c: {  	[tilespmem:s7], [sflag:$0x4] =	stream.indirect.gather [spmem:s1], $0x40, s8, s13, $0xb8;
	[tilespmem:$0x1E460] =	vst v63  }
0x3d: {  	_ = 	snop  }
0x3e: {  	[tilespmem:s15], [sflag:$0x4] =	stream.indirect.gather [spmem:s1], $0x40, s14, s11, $0xb8;
	[tilespmem:$0x1E460] =	vst v63  }
0x3f: {  	_ = 	snop  }
0x40: {  	[tilespmem:s17], [sflag:$0x4] =	stream.indirect.gather [spmem:s1], $0x40, s16, s13, $0xb8;
	[tilespmem:$0x1E460] =	vst v63  }
0x41: {  	_ = 	snop  }
0x42: {  	[tilespmem:s19], [sflag:$0x4] =	stream.indirect.gather [spmem:s1], $0x40, s18, s11, $0xb8;
	[tilespmem:$0x1E460] =	vst v63  }
0x43: {  	_ = 	snop  }
0x44: {  	[tilespmem:s21], [sflag:$0x4] =	stream.indirect.gather [spmem:s1], $0x40, s20, s13, $0xb8;
	[tilespmem:$0x1E460] =	vst v63  }
0x45: {  	_ =	swait.ge [sflag:s22], $0x2000  }
0x46: {  	[sflag:s22] =	ssyncset.done $0x0  }
0x47: {  	[sflag:s22] =	ssyncadd.s32 $0xFFFFE000  }
0x48: {  	_ =	swait.ge [sflag:s22], $0x1200  }
0x49: {  	[sflag:s22] =	ssyncset.done $0x0  }
0x4a: {  	[sflag:s22] =	ssyncadd.s32 $0xFFFFEE00  }
0x4b: {  	_ =	swait.ge [sflag:s22], $0x2000  }
0x4c: {  	[sflag:s22] =	ssyncset.done $0x0  }
0x4d: {  	[sflag:s22] =	ssyncadd.s32 $0xFFFFE000  }
0x4e: {  	_ =	swait.ge [sflag:s22], $0x1200  }
0x4f: {  	[sflag:s22] =	ssyncset.done $0x0  }
0x50: {  	[sflag:s22] =	ssyncadd.s32 $0xFFFFEE00  }
0x51: {  	_ =	swait.ge [sflag:s22], $0x2000  }
0x52: {  	[sflag:s22] =	ssyncset.done $0x0  }
0x53: {  	[sflag:s22] =	ssyncadd.s32 $0xFFFFE000  }
0x54: {  	_ =	swait.ge [sflag:s22], $0x1200  }
0x55: {  	[sflag:s22] =	ssyncset.done $0x0  }
0x56: {  	[sflag:s22] =	ssyncadd.s32 $0xFFFFEE00  }
0x57: {  	s24 =	sadd.s32 $0x3200, s24;
	_ =	swait.ge [sflag:s22], $0x2000  }
0x58: {  	p1 =	sne.s32 s24, $0xC8000;
	[sflag:s22] =	ssyncset.done $0x0  }
.Ltmp3:
0x59: {  	[sflag:s22] =	ssyncadd.s32 $0xFFFFE000;
	(pc) =	sbr.rel @!p1 .LBB2_7-.Ltmp3, $4  }
0x5a: {  	_ =	swait.ge [sflag:s22], $0x1200  }
0x5b: {  	[sflag:s22] =	ssyncset.done $0x0  }
0x5c: {  	s25 =	sadd.s32 $0x1900, s25;
	s23 =	sadd.s32 $0xC8, s23;
	[sflag:s22] =	ssyncadd.s32 $0xFFFFEE00  }
0x5d: {  	[hbm4b:s25+s2] =	stream.linear.scatter [tilespmem:s31], [sflag:$0x6], $0xC800, $0x38;
	[tilespmem:$0x1E460] =	vst v63  }
.LBB2_2:
0x5e: {  	s25 =	sadd.s32 $0xFFFFFF9C, s23  }
0x5f: {  	[tilespmem:s9], [sflag:$0x2] =	stream.linear.gather [hbm4b:s25+s2], $0x320, $0x38;
	[tilespmem:$0x1E460] =	vst v63  }
0x60: {  	_ =	swait.ge [sflag:s10], $0x320  }
0x61: {  	p1 =	seq.s32 s24, $0x0;
	[sflag:s10] =	ssyncset.done $0x0  }
0x62: {  	s25 =	simm.s32 @!p1 $0x5;
	[sflag:s10] =	ssyncadd.s32 $0xFFFFFCE0  }
0x63: {  	_ =	swait.ge @!p1 [sflag:s25], $0xC800  }
0x64: {  	[sflag:s25] =	ssyncset.done @!p1 $0x0  }
0x65: {  	[sflag:s25] =	ssyncadd.s32 @!p1 $0xFFFF3800  }
0x66: {  	[tilespmem:s12], [sflag:$0x3] =	stream.indirect.gather [spmem:s1], $0x40, s2, s11, $0xb8;
	[tilespmem:$0x1E460] =	vst v63  }
0x67: {  	s26 =	simm.s32 $0x2640  }
0x68: {  	[tilespmem:s26], [sflag:$0x3] =	stream.indirect.gather [spmem:s1], $0x40, s11, s13, $0xb8;
	[tilespmem:$0x1E460] =	vst v63  }
0x69: {  	s25 =	simm.s32 $0xC8;
	s26 =	simm.s32 $0x3840  }
0x6a: {  	[tilespmem:s26], [sflag:$0x3] =	stream.indirect.gather [spmem:s1], $0x40, s25, s11, $0xb8;
	[tilespmem:$0x1E460] =	vst v63  }
0x6b: {  	s25 =	simm.s32 $0x148;
	s26 =	simm.s32 $0x5840  }
0x6c: {  	[tilespmem:s26], [sflag:$0x3] =	stream.indirect.gather [spmem:s1], $0x40, s25, s13, $0xb8;
	[tilespmem:$0x1E460] =	vst v63  }
0x6d: {  	s25 =	simm.s32 $0x190;
	s26 =	simm.s32 $0x6A40  }
0x6e: {  	[tilespmem:s26], [sflag:$0x3] =	stream.indirect.gather [spmem:s1], $0x40, s25, s11, $0xb8;
	[tilespmem:$0x1E460] =	vst v63  }
0x6f: {  	s25 =	simm.s32 $0x210;
	s26 =	simm.s32 $0x8A40  }
0x70: {  	[tilespmem:s26], [sflag:$0x3] =	stream.indirect.gather [spmem:s1], $0x40, s25, s13, $0xb8;
	[tilespmem:$0x1E460] =	vst v63  }
0x71: {  	s25 =	simm.s32 $0x258;
	s26 =	simm.s32 $0x9C40  }
0x72: {  	[tilespmem:s26], [sflag:$0x3] =	stream.indirect.gather [spmem:s1], $0x40, s25, s11, $0xb8;
	[tilespmem:$0x1E460] =	vst v63  }
0x73: {  	s25 =	simm.s32 $0x2D8;
	s26 =	simm.s32 $0xBC40  }
0x74: {  	[tilespmem:s26], [sflag:$0x3] =	stream.indirect.gather [spmem:s1], $0x40, s25, s13, $0xb8;
	[tilespmem:$0x1E460] =	vst v63  }
0x75: {  	_ =	swait.ge [sflag:s28], $0x2000  }
0x76: {  	[sflag:s28] =	ssyncset.done $0x0  }
0x77: {  	[sflag:s28] =	ssyncadd.s32 $0xFFFFE000  }
0x78: {  	_ =	swait.ge [sflag:s28], $0x1200  }
0x79: {  	[sflag:s28] =	ssyncset.done $0x0  }
0x7a: {  	[sflag:s28] =	ssyncadd.s32 $0xFFFFEE00  }
0x7b: {  	_ =	swait.ge [sflag:s28], $0x2000  }
0x7c: {  	[sflag:s28] =	ssyncset.done $0x0  }
0x7d: {  	[sflag:s28] =	ssyncadd.s32 $0xFFFFE000  }
0x7e: {  	_ =	swait.ge [sflag:s28], $0x1200  }
0x7f: {  	[sflag:s28] =	ssyncset.done $0x0  }
0x80: {  	[sflag:s28] =	ssyncadd.s32 $0xFFFFEE00  }
0x81: {  	_ =	swait.ge [sflag:s28], $0x2000  }
0x82: {  	[sflag:s28] =	ssyncset.done $0x0  }
0x83: {  	[sflag:s28] =	ssyncadd.s32 $0xFFFFE000  }
0x84: {  	_ =	swait.ge [sflag:s28], $0x1200  }
0x85: {  	[sflag:s28] =	ssyncset.done $0x0  }
0x86: {  	[sflag:s28] =	ssyncadd.s32 $0xFFFFEE00  }
0x87: {  	_ =	swait.ge [sflag:s28], $0x2000  }
0x88: {  	p2 =	sne.s32 s24, $0xC4E00;
	[sflag:s28] =	ssyncset.done $0x0  }
.Ltmp4:
0x89: {  	[sflag:s28] =	ssyncadd.s32 $0xFFFFE000;
	(pc) =	sbr.rel @!p2 .LBB2_3-.Ltmp4, $4  }
0x8a: {  	_ =	swait.ge [sflag:s28], $0x1200  }
0x8b: {  	[sflag:s28] =	ssyncset.done $0x0  }
0x8c: {  	s25 =	sadd.s32 s24, s6;
	[sflag:s28] =	ssyncadd.s32 $0xFFFFEE00  }
0x8d: {  	[hbm4b:s25+s2] =	stream.linear.scatter [tilespmem:s12], [sflag:$0x5], $0xC800, $0x38;
	[tilespmem:$0x1E460] =	vst v63  }
0x8e: {  	[tilespmem:s2], [sflag:$0x1] =	stream.linear.gather [hbm4b:s23+s2], $0x320, $0x38;
	[tilespmem:$0x1E460] =	vst v63  }
.Ltmp5:
0x8f: {  	_ = 	snop;
	(pc) =	sbr.rel @!p1 .LBB2_5-.Ltmp5, $4  }
.Ltmp6:
0x90: {  	_ = 	snop;
	(pc) =	sbr.rel @p1 .LBB2_6-.Ltmp6, $4  }
0x91: {  	_ =	swait.ge [sflag:s29], $0x320  }
0x92: {  	[sflag:s29] =	ssyncset.done $0x0  }
0x93: {  	[sflag:s29] =	ssyncadd.s32 $0xFFFFFCE0  }
0x94: {  	_ = 	snop  }
.LBB2_8:
0x95: {  	_ =	sfence.sel $0x180000  }
0x96: {  	[bflag:$0x0] =	sbarrier.arrive $0xFFFF  }
0x97: {  	_ =	strace $0x90000047  }
0x98: {  	[bflag:$0x2] =	sbarrier.arrive $0xFFFF  }
0x99: {  	s0 =	rddreg [dreg:$0x3]  }
0x9a: {  	s0 =	sadd.s32 @!p0 $0x100000, s0  }
0x9b: {  	[sflag:s0] =	ssyncadd.tile.s32 @!p0 $0x1;
	_ =	shalt  }
.Lfunc_end2:
_tile_overlayer_lowered:
.L_overlay_start_2:
0x9c: {  	(tag) =	ssettag $0x2  }
0x9d: {  	s0 =	rddreg [dreg:$0x0];
	s2 =	stileid.u32  }
0x9e: {  	s1 =	rddreg [dreg:$0x1];
	p0 =	sne.s32 s2, $0x0  }
0x9f: {  	s3 =	rddreg [dreg:$0x2];
	[bflag:$0x3] =	sbarrier.arrive $0xFFFF;
	s2 =	simm.s32 @!p0 $0x1C07  }
0xa0: {  	[timem:s3], [sflag:s2] =	dma.local @!p0 [hbm:s0], s1  }
0xa1: {  	s0 =	simm.s32 @!p0 $0x7  }
0xa2: {  	_ =	swait.ge @!p0 [sflag:s0], s1  }
0xa3: {  	s1 =	ssub.s32 @!p0 $0x0, s1;
	[sflag:s0] =	ssyncset.done @!p0 $0x0  }
0xa4: {  	[sflag:s0] =	ssyncadd.s32 @!p0 s1  }
0xa5: {  	[bflag:$0x3] =	sbarrier.arrive $0xFFFF  }
0xa6: {  	_ =	shalt  }

// kernel: sparse-core-data-format-call.cloned.1.call-start
scs
called_computation_lowered:
.L_overlay_start_0:
0x0: {  	s2 =	sld [smem:$0x3FD9]  }
0x1: {  	s3 =	sld [smem:$0x3FFE];
	_ =	sdelay $0x1  }
0x2: {  	s1 =	srdreg.scid  }
0x3: {  	s0 =	sand.u32 $0x1, s1  }
0x4: {  	s18 =	sshll.u32 s0, $0xA;
	s2 =	sadd.s32 s3, s2  }
0x5: {  	s2 =	sadd.s32 s2, s18  }
0x6: {  	[smem:$0x3FC6] =	sst s2  }
0x7: {  	_ = 	snop  }
0x8: {  	s2 =	sld [smem:$0x3FD0];
	(tm) =	ssettm $0x1  }
0x9: {  	s19 =	sld [smem:$0x3FFB];
	_ =	sdelay $0x3  }
0xa: {  	_ =	strace s19  }
0xb: {  	s3 =	sld [smem:$0x3FFC];
	_ =	sdelay $0x3  }
0xc: {  	_ =	strace s3  }
0xd: {  	s3 =	sld [smem:$0x3FFD];
	_ =	sdelay $0x3  }
0xe: {  	_ =	strace s3  }
0xf: {  	_ =	strace $0x8FFFFFFF  }
0x10: {  	s20 =	sld [smem:$0x3FDB];
	_ =	sdelay $0x1  }
0x11: {  	s4 =	simm.s32 $_scs_section_size  }
0x12: {  	s5 =	simm.s32 $_size__tile_overlayer_lowered;
	s6 =	simm.s32 $_tile_overlayer_lowered  }
0x13: {  	s23 =	simm.s32 $0x1BFF;
	s22 =	sshll.u32 s6, $0x1;
	s3 =	sadd.s32 s4, s20  }
0x14: {  	s7 =	simm.s32 $0x0;
	s21 =	sshll.u32 s5, $0x1;
	s5 =	sadd.s32 s22, s3  }
0x15: {  	[timem:s7], [sflag:s23] =	dma.local [hbm:s5], s21  }
0x16: {  	_ =	swait.ge [sflag:s23], s21  }
0x17: {  	s4 =	ssub.s32 $0x0, s21;
	[sflag:s23] =	ssyncset.done $0x0  }
0x18: {  	[sflag:s23] =	ssyncadd.s32 s4;
	_ =	sdelay $0x1  }
0x19: {  	s24 =	simm.s32 $0x1B8B  }
0x1a: {  	_ =	swait.ge [sflag:s24], $0x1  }
0x1b: {  	[sflag:s24] =	ssyncset.done $0x0  }
0x1c: {  	s26 =	simm.s32 $0x1B8E;
	s25 =	sld [smem:$0x3FFE];
	[sflag:s24] =	ssyncadd.s32 $0xFFFFFFFF  }
0x1d: {  	s27 =	simm.s32 $execute0_lowered;
	[smem:$0x3FD2] =	sst s26  }
0x1e: {  	s5 =	sshll.u32 s27, $0x1;
	_ =	strace $0x80000049;
	[dreg:$0x1] =	wrdreg $0xFFFFFFFF  }
0x1f: {  	s28 =	simm.s32 $_size_execute0_lowered;
	s3 =	sadd.s32 s3, s5;
	[dreg:$0x0] =	wrdreg $0x0  }
0x20: {  	s5 =	sshll.u32 s28, $0x1;
	[dreg:$0x2] =	wrdreg s3  }
0x21: {  	[dreg:$0x3] =	wrdreg s5  }
0x22: {  	[dreg:$0x4] =	wrdreg $0xC0  }
0x23: {  	_ =	task [dreg:s7], $0x5FFFF  }
0x24: {  	[dreg:$0x1] =	wrdreg $0xFFFFFFFF  }
0x25: {  	[dreg:$0x0] =	wrdreg $0x60  }
0x26: {  	[dreg:$0x2] =	wrdreg s25  }
0x27: {  	[dreg:$0x3] =	wrdreg s2  }
0x28: {  	[dreg:$0x4] =	wrdreg $0x9  }
0x29: {  	_ =	task.clear_ibuf [dreg:s7], $0x5FFFF;
	_ =	strace $0x90000049  }
0x2a: {  	s29 =	simm.s32 $0x9;
	_ =	strace $0x8000004B  }
0x2b: {  	_ =	swait.ge [sflag:s29], $0x1  }
0x2c: {  	[sflag:s29] =	ssyncadd.s32 $0xFFFFFFFF  }
0x2d: {  	_ =	strace $0x9000004B  }
0x2e: {  	_ =	sfence  }
0x2f: {  	s30 =	sld [smem:$0x0];
	_ =	sdelay $0x2  }
0x30: {  	s31 =	sshll.u32 s1, $0xD;
	s1 =	sshrl.u32 s1, $0x2  }
0x31: {  	s3 =	sand.u32 $0x4000, s31;
	s1 =	sadd.s32 s1, s30  }
0x32: {  	s0 =	sor.u32 s3, s0;
	s1 =	sshll.u32 s1, $0x11  }
0x33: {  	s0 =	sor.u32 s1, s0  }
0x34: {  	s0 =	sadd.s32 $0x8F2B, s0  }
0x35: {  	[sflag:s0] =	ssyncadd.remote.s32 $0x1  }
0x36: {  	_ =	sfence.sel $0xFFFF  }
0x37: {  	[dreg:$0x0] =	wrdreg $0xFFFFFFFF;
	(pc) =	sbr.abs _section_cstart, $3  }
0x38: {  	[dreg:$0x1] =	wrdreg $0xFFFFFFFF  }
0x39: {  	_ =	task.clear_ibuf [dreg:s7], $0x2FFFF;
	_ =	strace $0x9FFFFFFF  }
0x3a: {  	(tm) =	ssettm $0x7FFFFFFF  }
0x3b: {  	_ =	shalt  }
tec
execute0_lowered:
.L_overlay_start_1:
0x0: {  	(tag) =	ssettag $0x1  }
0x1: {  	s0 =	srdreg.scid  }
0x2: {  	s1 =	sshll.u32 s0, $0x4  }
0x3: {  	s0 =	stileid.u32;
	s1 =	sand.u32 $0x10, s1  }
0x4: {  	s1 =	sor.u32 s0, s1  }
0x5: {  	s6 =	rddreg [dreg:$0x0];
	s4 =	simm.s32 $0x1;
	s2 =	sshll.u32 s1, $0x7  }
0x6: {  	s7 =	simm.s32 $0x2;
	s12 =	simm.s32 $0x0;
	s1 =	ssub.s32 $0x4000, s2  }
0x7: {  	s8 =	simm.s32 $0x20000;
	s13 =	simm.s32 $0x0;
	s3 =	sand.u32 $0xF80, s1  }
0x8: {  	s9 =	simm.s32 $0x0;
	s5 =	sshrl.u32 s1, $0xC;
	p0 =	sne.s32 s3, $0x0  }
.Ltmp0:
0x9: {  	s1 =	rddreg [dreg:$0x2];
	s4 =	simm.s32 @!p0 $0x0;
	(pc) =	sbr.rel .LBB1_1-.Ltmp0, $4  }
0xa: {  	s11 =	simm.s32 $0x0;
	s3 =	rddreg [dreg:$0x1];
	s5 =	sadd.s32 s4, s5  }
0xb: {  	_ =	strace $0x8000004A;
	s4 =	simm.s32 $0x1;
	s5 =	smul.u32 $0xC8, s5  }
0xc: {  	s6 =	sadd.s32 $0x800, s6;
	s10 =	smov.u32 s2;
	[sflag:s4] =	ssyncpa.u1 $0x0  }
0xd: {  	p0 =	por $0x0, $0x0;
	[sflag:s7] =	ssyncpa.u1 $0x0;
	s7 =	sor.u32 $0x1, s5  }
.LBB1_4:
0xe: {  	s16 =	sshll.u32 s13, $0x3;
	s17 =	sand.u32 $0x78, s13  }
0xf: {  	s30 =	sand.u32 $0x1F800, s13;
	s12 =	sshll.u32 s12, $0x11;
	s16 =	sand.u32 $0x3C00, s16  }
0x10: {  	[tilespmem:s15+$0x810 ss:$0x81] =	vst.msk $0xffff, v2;
	s31 =	sand.u32 $0x7, s13;
	s16 =	sor.u32 s17, s16;
	s17 =	sadd.s32 s3, s30  }
0x11: {  	[tilespmem:s15+$0x1020 ss:$0x81] =	vst.msk $0xffff, v0;
	s13 =	sshll.u32 s31, $0x12;
	s12 =	sadd.s32 s12, s17;
	s16 =	sshrl.u32 s16, $0x3  }
0x12: {  	[tilespmem:s15+$0x0 ss:$0x81] =	vst.msk $0xffff, v1;
	s13 =	sor.u32 $0x400, s13;
	s12 =	sadd.s32 s16, s12  }
0x13: {  	[hbm4b:s12+s13] =	stream.strided.scatter [tilespmem:s14], [sflag:$0x2], $0x2000, s8, s13, $0x20;
	[tilespmem:$0x8080] =	vst v63  }
.LBB1_5:
0x14: {  	s14 =	sadd.s32 $0x1, s9  }
0x15: {  	s12 =	sadd.s32 $0x1000, s10;
	s16 =	smov.u32 s10;
	p2 =	sgt.s32 s14, $0xC7  }
0x16: {  	s16 =	smov.u32 @p2 s12  }
0x17: {  	s14 =	simm.s32 @p2 $0x0;
	p2 =	sgt.s32 s16, $0x3FFF  }
0x18: {  	s16 =	smov.u32 @p2 s2;
	p2 =	sne.s32 s11, s7  }
.Ltmp1:
0x19: {  	p1 =	slt.u32 s11, $0x2;
	(pc) =	sbr.rel @!p2 .LBB1_6-.Ltmp1, $4  }
0x1a: {  	s15 =	simm.s32 @!p1 $0x2  }
0x1b: {  	s13 =	smov.u32 s10;
	p0 =	por !p0, !p0;
	_ =	swait.ge @!p1 [sflag:s15], $0x2000  }
0x1c: {  	s12 =	smov.u32 s9;
	[sflag:s15] =	ssyncset.done @!p1 $0x0;
	s9 =	smov.u32 s14  }
0x1d: {  	s11 =	sadd.s32 $0x1, s11;
	[sflag:s15] =	ssyncadd.s32 @!p1 $0xFFFFE000;
	s10 =	smov.u32 s16  }
.LBB1_1:
0x1e: {  	p1 =	sge.u32 s11, s5  }
0x1f: {  	s14 =	sand.u32 @!p1 $0x1FFFFFF, s9  }
0x20: {  	s15 =	smulhi.u32 @!p1 $0x147AE15, s14;
	_ =	sdelay $0x1  }
0x21: {  	s15 =	smul.u32 @!p1 $0xC8, s15  }
0x22: {  	s16 =	sxor.u32 @!p1 $0xFFFFFFFF, s11;
	s17 =	smul.u32 @!p1 $0xC80, s10  }
0x23: {  	s31 =	sadd.s32 $0xFFFFFFFF, s11;
	s16 =	sshll.u32 @!p1 s16, $0xD;
	s14 =	ssub.s32 @!p1 s14, s15  }
0x24: {  	s15 =	sand.u32 @!p1 $0x2000, s16;
	s16 =	sadd.s32 @!p1 s6, s17;
	s14 =	sshll.u32 @!p1 s14, $0x4  }
0x25: {  	s17 =	simm.s32 @!p1 $0x6400;
	s14 =	sadd.s32 @!p1 s14, s16;
	s16 =	simm.s32 @!p1 $0x40  }
0x26: {  	[tilespmem:s15], [sflag:$0x1] =	stream.strided.gather @!p1 [hbm4b:s14+s16], $0x2000, s17, s16, $0x38;
	[tilespmem:$0x8080] =	vst v63  }
0x27: {  	p1 =	sge.u32 s31, s5  }
.Ltmp2:
0x28: {  	_ = 	snop;
	(pc) =	sbr.rel @p1 .LBB1_5-.Ltmp2, $1  }
0x29: {  	_ =	sdelay $0x3  }
0x2a: {  	s14 =	simm.s32 $0x1  }
0x2b: {  	_ =	swait.ge [sflag:s4], $0x2000;
	s14 =	simm.s32 @!p0 $0x0  }
0x2c: {  	[sflag:s4] =	ssyncset.done $0x0;
	s15 =	sshll.u32 s14, $0xD  }
0x2d: {  	[sflag:s4] =	ssyncadd.s32 $0xFFFFE000;
	s18 =	sor.u32 $0x20, s15  }
0x2e: {  	s14 =	smul.u32 $0x8100, s14;
	v3 =	vld [tilespmem:s18+$0x10]  }
0x2f: {  	s30 =	sand.u32 $0x1, s11;
	v2 =	vld [tilespmem:s18+$0xFFFFFFF0]  }
0x30: {  	s15 =	smul.u32 $0x8100, s30;
	s14 =	sshrl.u32 s14, $0x2;
	v0 =	vld [tilespmem:s18+$0x0]  }
0x31: {  	v1 =	vld [tilespmem:s18+$0xFFFFFFE0];
	s16 =	sor.u32 $0x4000, s14  }
0x32: {  	s31 =	sshrl.u32 s15, $0x2;
	s15 =	sadd.s32 $0x0, s16  }
0x33: {  	s17 =	simm.s32 $0x4;
	s18 =	sadd.s32 $0x40, s18;
	s14 =	sor.u32 $0x4000, s31;
	[tilespmem:s15+$0x1830 ss:$0x81] =	vst.msk $0xffff, v3  }
.LBB1_3:
0x34: {  	v3 =	vld [tilespmem:s18+$0x10];
	p1 =	sne.s32 s17, $0x1FC;
	[tilespmem:s15+$0x810 ss:$0x81] =	vst.msk $0xffff, v2;
	s19 =	smov.u32 s17;
	s17 =	sadd.s32 $0x4, s17  }
.Ltmp3:
0x35: {  	v2 =	vld [tilespmem:s18+$0xFFFFFFF0];
	[tilespmem:s15+$0x1020 ss:$0x81] =	vst.msk $0xffff, v0;
	(pc) =	sbr.rel @p1 .LBB1_3-.Ltmp3, $4  }
0x36: {  	v0 =	vld [tilespmem:s18+$0x0];
	[tilespmem:s15+$0x0 ss:$0x81] =	vst.msk $0xffff, v1  }
0x37: {  	s15 =	sshra.s32 s19, $0x2;
	v1 =	vld [tilespmem:s18+$0xFFFFFFE0]  }
0x38: {  	s15 =	sadd.s32 s15, s16  }
0x39: {  	s18 =	sadd.s32 $0x40, s18;
	[tilespmem:s15+$0x1830 ss:$0x81] =	vst.msk $0xffff, v3  }
.Ltmp4:
0x3a: {  	_ = 	snop;
	(pc) =	sbr.rel .LBB1_4-.Ltmp4, $1  }
0x3b: {  	_ =	sdelay $0x3  }
.LBB1_6:
0x3c: {  	_ =	sfence.sel $0x180000  }
0x3d: {  	s2 =	simm.s32 $0x1;
	[bflag:$0x0] =	sbarrier.arrive $0xFFFF  }
0x3e: {  	s31 =	simm.s32 $0x2;
	[sflag:s2] =	ssyncpa.u1 $0x1  }
0x3f: {  	[sflag:s31] =	ssyncpa.u1 $0x1  }
0x40: {  	p0 =	sne.s32 s0, $0x0;
	_ =	strace $0x9000004A  }
0x41: {  	s0 =	sadd.s32 @!p0 $0x100000, s1;
	[bflag:$0x2] =	sbarrier.arrive $0xFFFF  }
0x42: {  	[sflag:s0] =	ssyncadd.tile.s32 @!p0 $0x1;
	_ =	shalt  }
.Lfunc_end1:
_tile_overlayer_lowered:
.L_overlay_start_2:
0x43: {  	(tag) =	ssettag $0x2  }
0x44: {  	s0 =	rddreg [dreg:$0x0];
	s2 =	stileid.u32  }
0x45: {  	s1 =	rddreg [dreg:$0x1];
	p0 =	sne.s32 s2, $0x0  }
0x46: {  	s3 =	rddreg [dreg:$0x2];
	[bflag:$0x3] =	sbarrier.arrive $0xFFFF;
	s2 =	simm.s32 @!p0 $0x1C01  }
0x47: {  	[timem:s3], [sflag:s2] =	dma.local @!p0 [hbm:s0], s1  }
0x48: {  	s0 =	simm.s32 @!p0 $0x1  }
0x49: {  	_ =	swait.ge @!p0 [sflag:s0], s1  }
0x4a: {  	s1 =	ssub.s32 @!p0 $0x0, s1;
	[sflag:s0] =	ssyncset.done @!p0 $0x0  }
0x4b: {  	[sflag:s0] =	ssyncadd.s32 @!p0 s1  }
0x4c: {  	[bflag:$0x3] =	sbarrier.arrive $0xFFFF  }
0x4d: {  	_ =	shalt  }

</sc_bundles>
